<compile_context>
chip_gen: v7x
topology: tpu7x:2x2x1
jax: 0.10.2.dev20260603
libtpu: 0.0.44.dev20260713+nightly
codegen_flags: <defaults>
</compile_context>

<pallas_src>
import functools

import jax
import jax.numpy as jnp
from jax import lax
from jax.experimental import pallas as pl
from jax.experimental.pallas import tpu as pltpu
from jax.experimental.pallas import tpu_sc as plsc

N_NODES = 10000
N_EDGES = 320000
D_FEAT = 128

NC = 2
NS = 16
NW = NC * NS
L = 16

K = 128
NB = N_EDGES // K
ROW_STRIDE = 624
ROW_CHUNK = 640


def _sc_segment_sum(feats, edges, zagg, zdeg):
    mesh = plsc.VectorSubcoreMesh(core_axis_name="c", subcore_axis_name="s")

    @functools.partial(
        pl.kernel,
        mesh=mesh,
        out_type=(
            jax.ShapeDtypeStruct((NC, N_NODES, D_FEAT), jnp.float32),
            jax.ShapeDtypeStruct((NW * N_NODES,), jnp.float32),
        ),
        scratch_types=[
            pltpu.VMEM((2, K), jnp.int32),
            pltpu.VMEM((K, D_FEAT), jnp.float32),
            pltpu.VMEM((2, K), jnp.int32),
            pltpu.VMEM((K, D_FEAT), jnp.float32),
            pltpu.VMEM((N_NODES,), jnp.float32),
            pltpu.VMEM_SHARED((N_NODES, D_FEAT), jnp.float32),
            pltpu.SemaphoreType.DMA,
            pltpu.SemaphoreType.DMA,
            pltpu.SemaphoreType.DMA,
            pltpu.SemaphoreType.DMA,
            pltpu.SemaphoreType.DMA,
            pltpu.SemaphoreType.DMA,
        ],
        compiler_params=pltpu.CompilerParams(needs_layout_passes=False),
    )
    def k(feats_hbm, e_hbm, zagg_hbm, zdeg_hbm,
          agg_out, deg_out, ebufa, rowsa, ebufb, rowsb,
          degl, aggsh, isema, isemb, gsema, gsemb, ssema, ssemb):
        cid = lax.axis_index("c")
        sid = lax.axis_index("s")
        wid = sid * NC + cid

        pltpu.sync_copy(zagg_hbm,
                        aggsh.at[pl.ds(sid * ROW_STRIDE, ROW_CHUNK)])
        pltpu.sync_copy(zdeg_hbm, degl)
        plsc.subcore_barrier()

        ones = jnp.ones((L,), jnp.float32)

        def start_batch(g, ebuf, rows, isem, gsem):
            di = pltpu.async_copy(e_hbm.at[g], ebuf, isem)

            def start_gather():
                di.wait()
                return pltpu.async_copy(feats_hbm.at[ebuf.at[0]], rows, gsem)

            return start_gather

        def finish_batch(gd, ebuf, rows, ssem):
            gd.wait()
            sd = pltpu.async_copy(rows, aggsh.at[ebuf.at[1]], ssem, add=True)
            for j in range(K // L):
                idx = ebuf[1, pl.ds(j * L, L)]
                plsc.addupdate_scatter(degl, [idx], ones)
            return sd

        def body(t, carry):
            sga = start_batch(wid + (2 * t) * NW, ebufa, rowsa,
                              isema, gsema)
            sgb = start_batch(wid + (2 * t + 1) * NW, ebufb, rowsb,
                              isemb, gsemb)
            gda = sga()
            gdb = sgb()
            sda = finish_batch(gda, ebufa, rowsa, ssema)
            sdb = finish_batch(gdb, ebufb, rowsb, ssemb)
            sda.wait()
            sdb.wait()
            return carry

        lax.fori_loop(0, (NB // NW) // 2, body, 0)

        @pl.when(wid < NB % NW)
        def _():
            sga = start_batch(wid + (NB // NW) * NW, ebufa, rowsa,
                              isema, gsema)
            finish_batch(sga(), ebufa, rowsa, ssema).wait()

        plsc.subcore_barrier()

        pltpu.sync_copy(aggsh.at[pl.ds(sid * ROW_STRIDE, ROW_CHUNK)],
                        agg_out.at[cid, pl.ds(sid * ROW_STRIDE, ROW_CHUNK)])
        pltpu.sync_copy(degl, deg_out.at[pl.ds(wid * N_NODES, N_NODES)])

    return k(feats, edges, zagg, zdeg)


ROW_BLK = 2000


def _finish_body(agg_ref, deg_ref, x_ref, wm_ref, wx_ref, b_ref, o_ref):
    agg = agg_ref[0] + agg_ref[1]
    deg = jnp.sum(deg_ref[...], axis=1)
    inv = 1.0 / jnp.maximum(deg, 1.0)
    mean = agg * inv[:, None]
    o_ref[...] = (
        jnp.dot(mean, wm_ref[...], preferred_element_type=jnp.float32)
        + jnp.dot(x_ref[...], wx_ref[...], preferred_element_type=jnp.float32)
        + b_ref[...]
    )


def _tc_finish(aggp, degp, n_feats, wm, wx, b2):
    grid = (N_NODES // ROW_BLK,)
    return pl.pallas_call(
        _finish_body,
        grid=grid,
        in_specs=[
            pl.BlockSpec((NC, ROW_BLK, D_FEAT), lambda i: (0, i, 0)),
            pl.BlockSpec((ROW_BLK, NW), lambda i: (i, 0)),
            pl.BlockSpec((ROW_BLK, D_FEAT), lambda i: (i, 0)),
            pl.BlockSpec((D_FEAT, D_FEAT), lambda i: (0, 0)),
            pl.BlockSpec((D_FEAT, D_FEAT), lambda i: (0, 0)),
            pl.BlockSpec((1, D_FEAT), lambda i: (0, 0)),
        ],
        out_specs=pl.BlockSpec((ROW_BLK, D_FEAT), lambda i: (i, 0)),
        out_shape=jax.ShapeDtypeStruct((N_NODES, D_FEAT), jnp.float32),
    )(aggp, degp, n_feats, wm, wx, b2)


def kernel(n_feats, edge_index, W, b):
    edges = jnp.stack([edge_index[0].reshape(NB, K),
                       edge_index[1].reshape(NB, K)], axis=1)
    zagg = jnp.zeros((ROW_CHUNK, D_FEAT), jnp.float32)
    zdeg = jnp.zeros((N_NODES,), jnp.float32)
    aggp, degp = _sc_segment_sum(n_feats, edges, zagg, zdeg)
    degp = degp.reshape(NW, N_NODES).T
    wm = W[:, :D_FEAT].T
    wx = W[:, D_FEAT:].T
    b2 = b.reshape(1, D_FEAT)
    return _tc_finish(aggp, degp, n_feats, wm, wx, b2)

# --- scband reference (transcript-rebuilt; emitter-appended) ---
"""Pipeline reference for scband-dummy-layer-20203526160416 (READ-ONLY COPY).

The authoritative reference and input builder live on the scoring server;
editing this copy changes nothing except your own understanding.
"""

import jax, jax.numpy as jnp
import numpy as np

N_NODES = 10000
N_EDGES = 320000
D_FEAT = 128
D_OUT = 128

def setup_inputs(seed: int = 0) -> dict:
    key = jax.random.key(seed)
    k1, k2, k3, k4 = jax.random.split(key, 4)
    n_feats = jax.random.normal(k1, (N_NODES, D_FEAT), dtype=jnp.float32)
    edge_index = jax.random.randint(k2, (2, N_EDGES), 0, N_NODES, dtype=jnp.int32)
    # nn.Linear(in_dim*2, out_dim) -> W: [out, 2*in], b: [out]
    W = jax.random.normal(k3, (D_OUT, 2 * D_FEAT), dtype=jnp.float32) * 0.05
    b = jax.random.normal(k4, (D_OUT,), dtype=jnp.float32) * 0.05
    return {"n_feats": n_feats, "edge_index": edge_index, "W": W, "b": b}

def reference(n_feats, edge_index, W, b):
    # DGL update_all(copy_u('h','m'), mean('m','h')):
    # gather source features along edges, mean-reduce onto destination nodes.
    src = edge_index[0]
    dst = edge_index[1]
    msgs = jnp.take(n_feats, src, axis=0)                      # gather [E, D]
    agg = jax.ops.segment_sum(msgs, dst, num_segments=N_NODES) # scatter-add [N, D]
    deg = jax.ops.segment_sum(jnp.ones((N_EDGES,), dtype=n_feats.dtype), dst, num_segments=N_NODES)
    h_mean = agg / jnp.maximum(deg, 1.0)[:, None]              # mean; isolated nodes -> 0
    h_cat = jnp.concatenate([h_mean, n_feats], axis=-1)        # [N, 2*D]
    out = h_cat @ W.T + b                                      # Linear
    return out

if __name__ == "__main__":
    import jax
    _d = setup_inputs()
    print(jax.jit(kernel)(*tuple(_d.values())))

</pallas_src>

<mosaic_0001>
#map = affine_map<(d0, d1) -> (0, 0)>
#map1 = affine_map<(d0, d1) -> (0, 0, 0)>
#map2 = affine_map<(d0, d1) -> (0)>
module attributes {stable_mosaic.version = 14 : i64} {
  func.func @k(%arg0: i32, %arg1: i32, %arg2: memref<10000x128xf32, #tpu.memory_space<hbm>>, %arg3: memref<2500x2x128xi32, #tpu.memory_space<hbm>>, %arg4: memref<640x128xf32, #tpu.memory_space<hbm>>, %arg5: memref<10000xf32, #tpu.memory_space<hbm>>, %arg6: memref<2x10000x128xf32, #tpu.memory_space<hbm>>, %arg7: memref<320000xf32, #tpu.memory_space<hbm>>, %arg8: memref<2x128xi32, #tpu.memory_space<vmem>>, %arg9: memref<128x128xf32, #tpu.memory_space<vmem>>, %arg10: memref<2x128xi32, #tpu.memory_space<vmem>>, %arg11: memref<128x128xf32, #tpu.memory_space<vmem>>, %arg12: memref<10000xf32, #tpu.memory_space<vmem>>, %arg13: memref<10000x128xf32, #tpu.memory_space<vmem_shared>>, %arg14: memref<!tpu.dma_semaphore, #tpu.memory_space<semaphore_mem>>, %arg15: memref<!tpu.dma_semaphore, #tpu.memory_space<semaphore_mem>>, %arg16: memref<!tpu.dma_semaphore, #tpu.memory_space<semaphore_mem>>, %arg17: memref<!tpu.dma_semaphore, #tpu.memory_space<semaphore_mem>>, %arg18: memref<!tpu.dma_semaphore, #tpu.memory_space<semaphore_mem>>, %arg19: memref<!tpu.dma_semaphore, #tpu.memory_space<semaphore_mem>>) attributes {dimension_semantics = [#tpu.dimension_semantics<core_parallel>, #tpu.dimension_semantics<subcore_parallel>], iteration_bounds = array<i64: 2, 16>, scalar_prefetch = 0 : i64, scratch_operands = 12 : i64, tpu.core_type = #tpu.core_type<sc_vector_subcore>, window_params = [{transform_indices = #map}, {transform_indices = #map1}, {transform_indices = #map}, {transform_indices = #map2}, {transform_indices = #map1}, {transform_indices = #map2}]} {
    %mul3A = arith.constant 2 : i32
    %mul3A_0 = arith.muli %arg1, %mul3A : i32
    %add3A = arith.addi %mul3A_0, %arg0 : i32
    %mul3A_1 = arith.constant 624 : i32
    %mul3A_2 = arith.muli %arg1, %mul3A_1 : i32
    "tpu.region"() ({
      %run_scoped3A = tpu.sem_alloc : memref<!tpu.dma_semaphore, #tpu.memory_space<semaphore_mem>>
      %dma_start3A = arith.constant 0 : i32
      %dma_start3A_18 = tpu.memref_slice %arg13[%mul3A_2, %dma_start3A] : memref<10000x128xf32, #tpu.memory_space<vmem_shared>> -> memref<640x128xf32, #tpu.memory_space<vmem_shared>>
      tpu.enqueue_dma source(%arg4 : memref<640x128xf32, #tpu.memory_space<hbm>>) target(%dma_start3A_18 : memref<640x128xf32, #tpu.memory_space<vmem_shared>>) target_semaphore(%run_scoped3A : memref<!tpu.dma_semaphore, #tpu.memory_space<semaphore_mem>>)
      %dma_wait3A = arith.constant 0 : i32
      %dma_wait3A_19 = tpu.memref_slice %arg13[%mul3A_2, %dma_wait3A] : memref<10000x128xf32, #tpu.memory_space<vmem_shared>> -> memref<640x128xf32, #tpu.memory_space<vmem_shared>>
      tpu.wait_dma2 semaphore(%run_scoped3A : memref<!tpu.dma_semaphore, #tpu.memory_space<semaphore_mem>>) src(%arg4 : memref<640x128xf32, #tpu.memory_space<hbm>>) dst(%dma_wait3A_19 : memref<640x128xf32, #tpu.memory_space<vmem_shared>>)
      tpu.yield
    }) : () -> ()
    "tpu.region"() ({
      %run_scoped3A = tpu.sem_alloc : memref<!tpu.dma_semaphore, #tpu.memory_space<semaphore_mem>>
      tpu.enqueue_dma source(%arg5 : memref<10000xf32, #tpu.memory_space<hbm>>) target(%arg12 : memref<10000xf32, #tpu.memory_space<vmem>>) target_semaphore(%run_scoped3A : memref<!tpu.dma_semaphore, #tpu.memory_space<semaphore_mem>>)
      tpu.wait_dma2 semaphore(%run_scoped3A : memref<!tpu.dma_semaphore, #tpu.memory_space<semaphore_mem>>) src(%arg5 : memref<10000xf32, #tpu.memory_space<hbm>>) dst(%arg12 : memref<10000xf32, #tpu.memory_space<vmem>>)
      tpu.yield
    }) : () -> ()
    %barrier3A = arith.constant 0 : index
    tpu.barrier barrier_id(%barrier3A)
    %broadcast_in_dim3A = arith.constant 1.000000e+00 : f32
    %broadcast_in_dim3A_3 = vector.broadcast %broadcast_in_dim3A : f32 to vector<16xf32>
    %scan3A = arith.constant 0 : i32
    %scan3A_4 = arith.constant 0 : i32
    %scan3A_5 = arith.constant 39 : i32
    %scan3A_6 = arith.addi %scan3A_4, %scan3A_5 : i32
    %scan3A_7 = arith.constant 1 : i32
    scf.for %scan3A_18 = %scan3A_4 to %scan3A_6 step %scan3A_7  : i32 {
      %mul3A_19 = arith.constant 2 : i32
      %mul3A_20 = arith.muli %mul3A_19, %scan3A_18 : i32
      %mul3A_21 = arith.constant 32 : i32
      %mul3A_22 = arith.muli %mul3A_20, %mul3A_21 : i32
      %add3A_23 = arith.addi %add3A, %mul3A_22 : i32
      %dma_start3A = arith.constant 0 : i32
      %dma_start3A_24 = arith.constant 0 : i32
      %dma_start3A_25 = tpu.memref_slice %arg3[%add3A_23, %dma_start3A, %dma_start3A_24] : memref<2500x2x128xi32, #tpu.memory_space<hbm>> -> memref<1x2x128xi32, #tpu.memory_space<hbm>>
      %dma_start3A_26 = tpu.memref_squeeze %dma_start3A_25 : memref<1x2x128xi32, #tpu.memory_space<hbm>> -> memref<2x128xi32, #tpu.memory_space<hbm>>
      %dma_start3A_27 = arith.constant 0 : i32
      %dma_start3A_28 = arith.constant 0 : i32
      %dma_start3A_29 = tpu.memref_slice %arg3[%add3A_23, %dma_start3A_27, %dma_start3A_28] : memref<2500x2x128xi32, #tpu.memory_space<hbm>> -> memref<1x2x128xi32, #tpu.memory_space<hbm>>
      %dma_start3A_30 = tpu.memref_squeeze %dma_start3A_29 : memref<1x2x128xi32, #tpu.memory_space<hbm>> -> memref<2x128xi32, #tpu.memory_space<hbm>>
      tpu.enqueue_dma source(%dma_start3A_30 : memref<2x128xi32, #tpu.memory_space<hbm>>) target(%arg8 : memref<2x128xi32, #tpu.memory_space<vmem>>) target_semaphore(%arg14 : memref<!tpu.dma_semaphore, #tpu.memory_space<semaphore_mem>>)
      %mul3A_31 = arith.constant 2 : i32
      %mul3A_32 = arith.muli %mul3A_31, %scan3A_18 : i32
      %add3A_33 = arith.constant 1 : i32
      %add3A_34 = arith.addi %mul3A_32, %add3A_33 : i32
      %mul3A_35 = arith.constant 32 : i32
      %mul3A_36 = arith.muli %add3A_34, %mul3A_35 : i32
      %add3A_37 = arith.addi %add3A, %mul3A_36 : i32
      %dma_start3A_38 = arith.constant 0 : i32
      %dma_start3A_39 = arith.constant 0 : i32
      %dma_start3A_40 = tpu.memref_slice %arg3[%add3A_37, %dma_start3A_38, %dma_start3A_39] : memref<2500x2x128xi32, #tpu.memory_space<hbm>> -> memref<1x2x128xi32, #tpu.memory_space<hbm>>
      %dma_start3A_41 = tpu.memref_squeeze %dma_start3A_40 : memref<1x2x128xi32, #tpu.memory_space<hbm>> -> memref<2x128xi32, #tpu.memory_space<hbm>>
      %dma_start3A_42 = arith.constant 0 : i32
      %dma_start3A_43 = arith.constant 0 : i32
      %dma_start3A_44 = tpu.memref_slice %arg3[%add3A_37, %dma_start3A_42, %dma_start3A_43] : memref<2500x2x128xi32, #tpu.memory_space<hbm>> -> memref<1x2x128xi32, #tpu.memory_space<hbm>>
      %dma_start3A_45 = tpu.memref_squeeze %dma_start3A_44 : memref<1x2x128xi32, #tpu.memory_space<hbm>> -> memref<2x128xi32, #tpu.memory_space<hbm>>
      tpu.enqueue_dma source(%dma_start3A_45 : memref<2x128xi32, #tpu.memory_space<hbm>>) target(%arg10 : memref<2x128xi32, #tpu.memory_space<vmem>>) target_semaphore(%arg15 : memref<!tpu.dma_semaphore, #tpu.memory_space<semaphore_mem>>)
      %dma_wait3A = arith.constant 0 : i32
      %dma_wait3A_46 = arith.constant 0 : i32
      %dma_wait3A_47 = tpu.memref_slice %arg3[%add3A_23, %dma_wait3A, %dma_wait3A_46] : memref<2500x2x128xi32, #tpu.memory_space<hbm>> -> memref<1x2x128xi32, #tpu.memory_space<hbm>>
      %dma_wait3A_48 = tpu.memref_squeeze %dma_wait3A_47 : memref<1x2x128xi32, #tpu.memory_space<hbm>> -> memref<2x128xi32, #tpu.memory_space<hbm>>
      %dma_wait3A_49 = arith.constant 0 : i32
      %dma_wait3A_50 = arith.constant 0 : i32
      %dma_wait3A_51 = tpu.memref_slice %arg3[%add3A_23, %dma_wait3A_49, %dma_wait3A_50] : memref<2500x2x128xi32, #tpu.memory_space<hbm>> -> memref<1x2x128xi32, #tpu.memory_space<hbm>>
      %dma_wait3A_52 = tpu.memref_squeeze %dma_wait3A_51 : memref<1x2x128xi32, #tpu.memory_space<hbm>> -> memref<2x128xi32, #tpu.memory_space<hbm>>
      tpu.wait_dma2 semaphore(%arg14 : memref<!tpu.dma_semaphore, #tpu.memory_space<semaphore_mem>>) src(%dma_wait3A_52 : memref<2x128xi32, #tpu.memory_space<hbm>>) dst(%arg8 : memref<2x128xi32, #tpu.memory_space<vmem>>)
      %dma_start3A_53 = arith.constant 0 : i32
      %dma_start3A_54 = arith.constant 0 : i32
      %dma_start3A_55 = tpu.memref_slice %arg8[%dma_start3A_53, %dma_start3A_54] : memref<2x128xi32, #tpu.memory_space<vmem>> -> memref<1x128xi32, #tpu.memory_space<vmem>>
      %dma_start3A_56 = tpu.memref_squeeze %dma_start3A_55 : memref<1x128xi32, #tpu.memory_space<vmem>> -> memref<128xi32, #tpu.memory_space<vmem>>
      %dma_start3A_57 = arith.constant 0 : i32
      %dma_start3A_58 = arith.constant 0 : i32
      %dma_start3A_59 = tpu.memref_slice %arg2[%dma_start3A_57, %dma_start3A_58] : memref<10000x128xf32, #tpu.memory_space<hbm>> -> memref<10000x128xf32, #tpu.memory_space<hbm>>
      tpu.enqueue_indirect_dma source(%dma_start3A_59 : memref<10000x128xf32, #tpu.memory_space<hbm>>) target(%arg9 : memref<128x128xf32, #tpu.memory_space<vmem>>) offsets(%dma_start3A_56 : memref<128xi32, #tpu.memory_space<vmem>>) semaphore(%arg16 : memref<!tpu.dma_semaphore, #tpu.memory_space<semaphore_mem>>)
      %dma_wait3A_60 = arith.constant 0 : i32
      %dma_wait3A_61 = arith.constant 0 : i32
      %dma_wait3A_62 = tpu.memref_slice %arg3[%add3A_37, %dma_wait3A_60, %dma_wait3A_61] : memref<2500x2x128xi32, #tpu.memory_space<hbm>> -> memref<1x2x128xi32, #tpu.memory_space<hbm>>
      %dma_wait3A_63 = tpu.memref_squeeze %dma_wait3A_62 : memref<1x2x128xi32, #tpu.memory_space<hbm>> -> memref<2x128xi32, #tpu.memory_space<hbm>>
      %dma_wait3A_64 = arith.constant 0 : i32
      %dma_wait3A_65 = arith.constant 0 : i32
      %dma_wait3A_66 = tpu.memref_slice %arg3[%add3A_37, %dma_wait3A_64, %dma_wait3A_65] : memref<2500x2x128xi32, #tpu.memory_space<hbm>> -> memref<1x2x128xi32, #tpu.memory_space<hbm>>
      %dma_wait3A_67 = tpu.memref_squeeze %dma_wait3A_66 : memref<1x2x128xi32, #tpu.memory_space<hbm>> -> memref<2x128xi32, #tpu.memory_space<hbm>>
      tpu.wait_dma2 semaphore(%arg15 : memref<!tpu.dma_semaphore, #tpu.memory_space<semaphore_mem>>) src(%dma_wait3A_67 : memref<2x128xi32, #tpu.memory_space<hbm>>) dst(%arg10 : memref<2x128xi32, #tpu.memory_space<vmem>>)
      %dma_start3A_68 = arith.constant 0 : i32
      %dma_start3A_69 = arith.constant 0 : i32
      %dma_start3A_70 = tpu.memref_slice %arg10[%dma_start3A_68, %dma_start3A_69] : memref<2x128xi32, #tpu.memory_space<vmem>> -> memref<1x128xi32, #tpu.memory_space<vmem>>
      %dma_start3A_71 = tpu.memref_squeeze %dma_start3A_70 : memref<1x128xi32, #tpu.memory_space<vmem>> -> memref<128xi32, #tpu.memory_space<vmem>>
      %dma_start3A_72 = arith.constant 0 : i32
      %dma_start3A_73 = arith.constant 0 : i32
      %dma_start3A_74 = tpu.memref_slice %arg2[%dma_start3A_72, %dma_start3A_73] : memref<10000x128xf32, #tpu.memory_space<hbm>> -> memref<10000x128xf32, #tpu.memory_space<hbm>>
      tpu.enqueue_indirect_dma source(%dma_start3A_74 : memref<10000x128xf32, #tpu.memory_space<hbm>>) target(%arg11 : memref<128x128xf32, #tpu.memory_space<vmem>>) offsets(%dma_start3A_71 : memref<128xi32, #tpu.memory_space<vmem>>) semaphore(%arg17 : memref<!tpu.dma_semaphore, #tpu.memory_space<semaphore_mem>>)
      %dma_wait3A_75 = arith.constant 0 : i32
      %dma_wait3A_76 = arith.constant 0 : i32
      %dma_wait3A_77 = tpu.memref_slice %arg8[%dma_wait3A_75, %dma_wait3A_76] : memref<2x128xi32, #tpu.memory_space<vmem>> -> memref<1x128xi32, #tpu.memory_space<vmem>>
      %dma_wait3A_78 = tpu.memref_squeeze %dma_wait3A_77 : memref<1x128xi32, #tpu.memory_space<vmem>> -> memref<128xi32, #tpu.memory_space<vmem>>
      %dma_wait3A_79 = arith.constant 0 : i32
      %dma_wait3A_80 = arith.constant 0 : i32
      %dma_wait3A_81 = tpu.memref_slice %arg2[%dma_wait3A_79, %dma_wait3A_80] : memref<10000x128xf32, #tpu.memory_space<hbm>> -> memref<10000x128xf32, #tpu.memory_space<hbm>>
      tpu.wait_indirect_dma semaphore(%arg16 : memref<!tpu.dma_semaphore, #tpu.memory_space<semaphore_mem>>) src(%dma_wait3A_81 : memref<10000x128xf32, #tpu.memory_space<hbm>>) dst(%arg9 : memref<128x128xf32, #tpu.memory_space<vmem>>)
      %dma_start3A_82 = arith.constant 1 : i32
      %dma_start3A_83 = arith.constant 0 : i32
      %dma_start3A_84 = tpu.memref_slice %arg8[%dma_start3A_82, %dma_start3A_83] : memref<2x128xi32, #tpu.memory_space<vmem>> -> memref<1x128xi32, #tpu.memory_space<vmem>>
      %dma_start3A_85 = tpu.memref_squeeze %dma_start3A_84 : memref<1x128xi32, #tpu.memory_space<vmem>> -> memref<128xi32, #tpu.memory_space<vmem>>
      %dma_start3A_86 = arith.constant 0 : i32
      %dma_start3A_87 = arith.constant 0 : i32
      %dma_start3A_88 = tpu.memref_slice %arg13[%dma_start3A_86, %dma_start3A_87] : memref<10000x128xf32, #tpu.memory_space<vmem_shared>> -> memref<10000x128xf32, #tpu.memory_space<vmem_shared>>
      tpu.enqueue_indirect_dma source(%arg9 : memref<128x128xf32, #tpu.memory_space<vmem>>) target(%dma_start3A_88 : memref<10000x128xf32, #tpu.memory_space<vmem_shared>>) offsets(%dma_start3A_85 : memref<128xi32, #tpu.memory_space<vmem>>) semaphore(%arg18 : memref<!tpu.dma_semaphore, #tpu.memory_space<semaphore_mem>>) {add = true}
      %get3A = arith.constant 1 : i32
      %get3A_89 = arith.index_cast %get3A : i32 to index
      %get3A_90 = arith.constant 0 : index
      %get3A_91 = tpu.vector_load %arg8[%get3A_89, %get3A_90] {strides = array<i32>} : memref<2x128xi32, #tpu.memory_space<vmem>>, vector<16xi32>,
      tpu.vector_store_idx %arg12[%get3A_91], %broadcast_in_dim3A_3 {add = true} : memref<10000xf32, #tpu.memory_space<vmem>>[vector<16xi32>], vector<16xf32>,
      %get3A_92 = arith.constant 1 : i32
      %get3A_93 = arith.index_cast %get3A_92 : i32 to index
      %get3A_94 = arith.constant 16 : index
      %get3A_95 = tpu.vector_load %arg8[%get3A_93, %get3A_94] {strides = array<i32>} : memref<2x128xi32, #tpu.memory_space<vmem>>, vector<16xi32>,
      tpu.vector_store_idx %arg12[%get3A_95], %broadcast_in_dim3A_3 {add = true} : memref<10000xf32, #tpu.memory_space<vmem>>[vector<16xi32>], vector<16xf32>,
      %get3A_96 = arith.constant 1 : i32
      %get3A_97 = arith.index_cast %get3A_96 : i32 to index
      %get3A_98 = arith.constant 32 : index
      %get3A_99 = tpu.vector_load %arg8[%get3A_97, %get3A_98] {strides = array<i32>} : memref<2x128xi32, #tpu.memory_space<vmem>>, vector<16xi32>,
      tpu.vector_store_idx %arg12[%get3A_99], %broadcast_in_dim3A_3 {add = true} : memref<10000xf32, #tpu.memory_space<vmem>>[vector<16xi32>], vector<16xf32>,
      %get3A_100 = arith.constant 1 : i32
      %get3A_101 = arith.index_cast %get3A_100 : i32 to index
      %get3A_102 = arith.constant 48 : index
      %get3A_103 = tpu.vector_load %arg8[%get3A_101, %get3A_102] {strides = array<i32>} : memref<2x128xi32, #tpu.memory_space<vmem>>, vector<16xi32>,
      tpu.vector_store_idx %arg12[%get3A_103], %broadcast_in_dim3A_3 {add = true} : memref<10000xf32, #tpu.memory_space<vmem>>[vector<16xi32>], vector<16xf32>,
      %get3A_104 = arith.constant 1 : i32
      %get3A_105 = arith.index_cast %get3A_104 : i32 to index
      %get3A_106 = arith.constant 64 : index
      %get3A_107 = tpu.vector_load %arg8[%get3A_105, %get3A_106] {strides = array<i32>} : memref<2x128xi32, #tpu.memory_space<vmem>>, vector<16xi32>,
      tpu.vector_store_idx %arg12[%get3A_107], %broadcast_in_dim3A_3 {add = true} : memref<10000xf32, #tpu.memory_space<vmem>>[vector<16xi32>], vector<16xf32>,
      %get3A_108 = arith.constant 1 : i32
      %get3A_109 = arith.index_cast %get3A_108 : i32 to index
      %get3A_110 = arith.constant 80 : index
      %get3A_111 = tpu.vector_load %arg8[%get3A_109, %get3A_110] {strides = array<i32>} : memref<2x128xi32, #tpu.memory_space<vmem>>, vector<16xi32>,
      tpu.vector_store_idx %arg12[%get3A_111], %broadcast_in_dim3A_3 {add = true} : memref<10000xf32, #tpu.memory_space<vmem>>[vector<16xi32>], vector<16xf32>,
      %get3A_112 = arith.constant 1 : i32
      %get3A_113 = arith.index_cast %get3A_112 : i32 to index
      %get3A_114 = arith.constant 96 : index
      %get3A_115 = tpu.vector_load %arg8[%get3A_113, %get3A_114] {strides = array<i32>} : memref<2x128xi32, #tpu.memory_space<vmem>>, vector<16xi32>,
      tpu.vector_store_idx %arg12[%get3A_115], %broadcast_in_dim3A_3 {add = true} : memref<10000xf32, #tpu.memory_space<vmem>>[vector<16xi32>], vector<16xf32>,
      %get3A_116 = arith.constant 1 : i32
      %get3A_117 = arith.index_cast %get3A_116 : i32 to index
      %get3A_118 = arith.constant 112 : index
      %get3A_119 = tpu.vector_load %arg8[%get3A_117, %get3A_118] {strides = array<i32>} : memref<2x128xi32, #tpu.memory_space<vmem>>, vector<16xi32>,
      tpu.vector_store_idx %arg12[%get3A_119], %broadcast_in_dim3A_3 {add = true} : memref<10000xf32, #tpu.memory_space<vmem>>[vector<16xi32>], vector<16xf32>,
      %dma_wait3A_120 = arith.constant 0 : i32
      %dma_wait3A_121 = arith.constant 0 : i32
      %dma_wait3A_122 = tpu.memref_slice %arg10[%dma_wait3A_120, %dma_wait3A_121] : memref<2x128xi32, #tpu.memory_space<vmem>> -> memref<1x128xi32, #tpu.memory_space<vmem>>
      %dma_wait3A_123 = tpu.memref_squeeze %dma_wait3A_122 : memref<1x128xi32, #tpu.memory_space<vmem>> -> memref<128xi32, #tpu.memory_space<vmem>>
      %dma_wait3A_124 = arith.constant 0 : i32
      %dma_wait3A_125 = arith.constant 0 : i32
      %dma_wait3A_126 = tpu.memref_slice %arg2[%dma_wait3A_124, %dma_wait3A_125] : memref<10000x128xf32, #tpu.memory_space<hbm>> -> memref<10000x128xf32, #tpu.memory_space<hbm>>
      tpu.wait_indirect_dma semaphore(%arg17 : memref<!tpu.dma_semaphore, #tpu.memory_space<semaphore_mem>>) src(%dma_wait3A_126 : memref<10000x128xf32, #tpu.memory_space<hbm>>) dst(%arg11 : memref<128x128xf32, #tpu.memory_space<vmem>>)
      %dma_start3A_127 = arith.constant 1 : i32
      %dma_start3A_128 = arith.constant 0 : i32
      %dma_start3A_129 = tpu.memref_slice %arg10[%dma_start3A_127, %dma_start3A_128] : memref<2x128xi32, #tpu.memory_space<vmem>> -> memref<1x128xi32, #tpu.memory_space<vmem>>
      %dma_start3A_130 = tpu.memref_squeeze %dma_start3A_129 : memref<1x128xi32, #tpu.memory_space<vmem>> -> memref<128xi32, #tpu.memory_space<vmem>>
      %dma_start3A_131 = arith.constant 0 : i32
      %dma_start3A_132 = arith.constant 0 : i32
      %dma_start3A_133 = tpu.memref_slice %arg13[%dma_start3A_131, %dma_start3A_132] : memref<10000x128xf32, #tpu.memory_space<vmem_shared>> -> memref<10000x128xf32, #tpu.memory_space<vmem_shared>>
      tpu.enqueue_indirect_dma source(%arg11 : memref<128x128xf32, #tpu.memory_space<vmem>>) target(%dma_start3A_133 : memref<10000x128xf32, #tpu.memory_space<vmem_shared>>) offsets(%dma_start3A_130 : memref<128xi32, #tpu.memory_space<vmem>>) semaphore(%arg19 : memref<!tpu.dma_semaphore, #tpu.memory_space<semaphore_mem>>) {add = true}
      %get3A_134 = arith.constant 1 : i32
      %get3A_135 = arith.index_cast %get3A_134 : i32 to index
      %get3A_136 = arith.constant 0 : index
      %get3A_137 = tpu.vector_load %arg10[%get3A_135, %get3A_136] {strides = array<i32>} : memref<2x128xi32, #tpu.memory_space<vmem>>, vector<16xi32>,
      tpu.vector_store_idx %arg12[%get3A_137], %broadcast_in_dim3A_3 {add = true} : memref<10000xf32, #tpu.memory_space<vmem>>[vector<16xi32>], vector<16xf32>,
      %get3A_138 = arith.constant 1 : i32
      %get3A_139 = arith.index_cast %get3A_138 : i32 to index
      %get3A_140 = arith.constant 16 : index
      %get3A_141 = tpu.vector_load %arg10[%get3A_139, %get3A_140] {strides = array<i32>} : memref<2x128xi32, #tpu.memory_space<vmem>>, vector<16xi32>,
      tpu.vector_store_idx %arg12[%get3A_141], %broadcast_in_dim3A_3 {add = true} : memref<10000xf32, #tpu.memory_space<vmem>>[vector<16xi32>], vector<16xf32>,
      %get3A_142 = arith.constant 1 : i32
      %get3A_143 = arith.index_cast %get3A_142 : i32 to index
      %get3A_144 = arith.constant 32 : index
      %get3A_145 = tpu.vector_load %arg10[%get3A_143, %get3A_144] {strides = array<i32>} : memref<2x128xi32, #tpu.memory_space<vmem>>, vector<16xi32>,
      tpu.vector_store_idx %arg12[%get3A_145], %broadcast_in_dim3A_3 {add = true} : memref<10000xf32, #tpu.memory_space<vmem>>[vector<16xi32>], vector<16xf32>,
      %get3A_146 = arith.constant 1 : i32
      %get3A_147 = arith.index_cast %get3A_146 : i32 to index
      %get3A_148 = arith.constant 48 : index
      %get3A_149 = tpu.vector_load %arg10[%get3A_147, %get3A_148] {strides = array<i32>} : memref<2x128xi32, #tpu.memory_space<vmem>>, vector<16xi32>,
      tpu.vector_store_idx %arg12[%get3A_149], %broadcast_in_dim3A_3 {add = true} : memref<10000xf32, #tpu.memory_space<vmem>>[vector<16xi32>], vector<16xf32>,
      %get3A_150 = arith.constant 1 : i32
      %get3A_151 = arith.index_cast %get3A_150 : i32 to index
      %get3A_152 = arith.constant 64 : index
      %get3A_153 = tpu.vector_load %arg10[%get3A_151, %get3A_152] {strides = array<i32>} : memref<2x128xi32, #tpu.memory_space<vmem>>, vector<16xi32>,
      tpu.vector_store_idx %arg12[%get3A_153], %broadcast_in_dim3A_3 {add = true} : memref<10000xf32, #tpu.memory_space<vmem>>[vector<16xi32>], vector<16xf32>,
      %get3A_154 = arith.constant 1 : i32
      %get3A_155 = arith.index_cast %get3A_154 : i32 to index
      %get3A_156 = arith.constant 80 : index
      %get3A_157 = tpu.vector_load %arg10[%get3A_155, %get3A_156] {strides = array<i32>} : memref<2x128xi32, #tpu.memory_space<vmem>>, vector<16xi32>,
      tpu.vector_store_idx %arg12[%get3A_157], %broadcast_in_dim3A_3 {add = true} : memref<10000xf32, #tpu.memory_space<vmem>>[vector<16xi32>], vector<16xf32>,
      %get3A_158 = arith.constant 1 : i32
      %get3A_159 = arith.index_cast %get3A_158 : i32 to index
      %get3A_160 = arith.constant 96 : index
      %get3A_161 = tpu.vector_load %arg10[%get3A_159, %get3A_160] {strides = array<i32>} : memref<2x128xi32, #tpu.memory_space<vmem>>, vector<16xi32>,
      tpu.vector_store_idx %arg12[%get3A_161], %broadcast_in_dim3A_3 {add = true} : memref<10000xf32, #tpu.memory_space<vmem>>[vector<16xi32>], vector<16xf32>,
      %get3A_162 = arith.constant 1 : i32
      %get3A_163 = arith.index_cast %get3A_162 : i32 to index
      %get3A_164 = arith.constant 112 : index
      %get3A_165 = tpu.vector_load %arg10[%get3A_163, %get3A_164] {strides = array<i32>} : memref<2x128xi32, #tpu.memory_space<vmem>>, vector<16xi32>,
      tpu.vector_store_idx %arg12[%get3A_165], %broadcast_in_dim3A_3 {add = true} : memref<10000xf32, #tpu.memory_space<vmem>>[vector<16xi32>], vector<16xf32>,
      %dma_wait3A_166 = arith.constant 1 : i32
      %dma_wait3A_167 = arith.constant 0 : i32
      %dma_wait3A_168 = tpu.memref_slice %arg8[%dma_wait3A_166, %dma_wait3A_167] : memref<2x128xi32, #tpu.memory_space<vmem>> -> memref<1x128xi32, #tpu.memory_space<vmem>>
      %dma_wait3A_169 = tpu.memref_squeeze %dma_wait3A_168 : memref<1x128xi32, #tpu.memory_space<vmem>> -> memref<128xi32, #tpu.memory_space<vmem>>
      %dma_wait3A_170 = arith.constant 0 : i32
      %dma_wait3A_171 = arith.constant 0 : i32
      %dma_wait3A_172 = tpu.memref_slice %arg13[%dma_wait3A_170, %dma_wait3A_171] : memref<10000x128xf32, #tpu.memory_space<vmem_shared>> -> memref<10000x128xf32, #tpu.memory_space<vmem_shared>>
      tpu.wait_indirect_dma semaphore(%arg18 : memref<!tpu.dma_semaphore, #tpu.memory_space<semaphore_mem>>) src(%arg9 : memref<128x128xf32, #tpu.memory_space<vmem>>) dst(%dma_wait3A_172 : memref<10000x128xf32, #tpu.memory_space<vmem_shared>>)
      %dma_wait3A_173 = arith.constant 1 : i32
      %dma_wait3A_174 = arith.constant 0 : i32
      %dma_wait3A_175 = tpu.memref_slice %arg10[%dma_wait3A_173, %dma_wait3A_174] : memref<2x128xi32, #tpu.memory_space<vmem>> -> memref<1x128xi32, #tpu.memory_space<vmem>>
      %dma_wait3A_176 = tpu.memref_squeeze %dma_wait3A_175 : memref<1x128xi32, #tpu.memory_space<vmem>> -> memref<128xi32, #tpu.memory_space<vmem>>
      %dma_wait3A_177 = arith.constant 0 : i32
      %dma_wait3A_178 = arith.constant 0 : i32
      %dma_wait3A_179 = tpu.memref_slice %arg13[%dma_wait3A_177, %dma_wait3A_178] : memref<10000x128xf32, #tpu.memory_space<vmem_shared>> -> memref<10000x128xf32, #tpu.memory_space<vmem_shared>>
      tpu.wait_indirect_dma semaphore(%arg19 : memref<!tpu.dma_semaphore, #tpu.memory_space<semaphore_mem>>) src(%arg11 : memref<128x128xf32, #tpu.memory_space<vmem>>) dst(%dma_wait3A_179 : memref<10000x128xf32, #tpu.memory_space<vmem_shared>>)
    }
    %scan3A_8 = arith.constant 39 : i32
    %lt3A = arith.constant 4 : i32
    %lt3A_9 = arith.cmpi slt, %add3A, %lt3A : i32
    %convert_element_type3A = arith.extui %lt3A_9 : i1 to i32
    %cond3A = arith.constant 0 : i32
    %cond3A_10 = arith.cmpi ne, %convert_element_type3A, %cond3A : i32
    scf.if %cond3A_10 {
      %add3A_18 = arith.constant 2496 : i32
      %add3A_19 = arith.addi %add3A, %add3A_18 : i32
      %dma_start3A = arith.constant 0 : i32
      %dma_start3A_20 = arith.constant 0 : i32
      %dma_start3A_21 = tpu.memref_slice %arg3[%add3A_19, %dma_start3A, %dma_start3A_20] : memref<2500x2x128xi32, #tpu.memory_space<hbm>> -> memref<1x2x128xi32, #tpu.memory_space<hbm>>
      %dma_start3A_22 = tpu.memref_squeeze %dma_start3A_21 : memref<1x2x128xi32, #tpu.memory_space<hbm>> -> memref<2x128xi32, #tpu.memory_space<hbm>>
      %dma_start3A_23 = arith.constant 0 : i32
      %dma_start3A_24 = arith.constant 0 : i32
      %dma_start3A_25 = tpu.memref_slice %arg3[%add3A_19, %dma_start3A_23, %dma_start3A_24] : memref<2500x2x128xi32, #tpu.memory_space<hbm>> -> memref<1x2x128xi32, #tpu.memory_space<hbm>>
      %dma_start3A_26 = tpu.memref_squeeze %dma_start3A_25 : memref<1x2x128xi32, #tpu.memory_space<hbm>> -> memref<2x128xi32, #tpu.memory_space<hbm>>
      tpu.enqueue_dma source(%dma_start3A_26 : memref<2x128xi32, #tpu.memory_space<hbm>>) target(%arg8 : memref<2x128xi32, #tpu.memory_space<vmem>>) target_semaphore(%arg14 : memref<!tpu.dma_semaphore, #tpu.memory_space<semaphore_mem>>)
      %dma_wait3A = arith.constant 0 : i32
      %dma_wait3A_27 = arith.constant 0 : i32
      %dma_wait3A_28 = tpu.memref_slice %arg3[%add3A_19, %dma_wait3A, %dma_wait3A_27] : memref<2500x2x128xi32, #tpu.memory_space<hbm>> -> memref<1x2x128xi32, #tpu.memory_space<hbm>>
      %dma_wait3A_29 = tpu.memref_squeeze %dma_wait3A_28 : memref<1x2x128xi32, #tpu.memory_space<hbm>> -> memref<2x128xi32, #tpu.memory_space<hbm>>
      %dma_wait3A_30 = arith.constant 0 : i32
      %dma_wait3A_31 = arith.constant 0 : i32
      %dma_wait3A_32 = tpu.memref_slice %arg3[%add3A_19, %dma_wait3A_30, %dma_wait3A_31] : memref<2500x2x128xi32, #tpu.memory_space<hbm>> -> memref<1x2x128xi32, #tpu.memory_space<hbm>>
      %dma_wait3A_33 = tpu.memref_squeeze %dma_wait3A_32 : memref<1x2x128xi32, #tpu.memory_space<hbm>> -> memref<2x128xi32, #tpu.memory_space<hbm>>
      tpu.wait_dma2 semaphore(%arg14 : memref<!tpu.dma_semaphore, #tpu.memory_space<semaphore_mem>>) src(%dma_wait3A_33 : memref<2x128xi32, #tpu.memory_space<hbm>>) dst(%arg8 : memref<2x128xi32, #tpu.memory_space<vmem>>)
      %dma_start3A_34 = arith.constant 0 : i32
      %dma_start3A_35 = arith.constant 0 : i32
      %dma_start3A_36 = tpu.memref_slice %arg8[%dma_start3A_34, %dma_start3A_35] : memref<2x128xi32, #tpu.memory_space<vmem>> -> memref<1x128xi32, #tpu.memory_space<vmem>>
      %dma_start3A_37 = tpu.memref_squeeze %dma_start3A_36 : memref<1x128xi32, #tpu.memory_space<vmem>> -> memref<128xi32, #tpu.memory_space<vmem>>
      %dma_start3A_38 = arith.constant 0 : i32
      %dma_start3A_39 = arith.constant 0 : i32
      %dma_start3A_40 = tpu.memref_slice %arg2[%dma_start3A_38, %dma_start3A_39] : memref<10000x128xf32, #tpu.memory_space<hbm>> -> memref<10000x128xf32, #tpu.memory_space<hbm>>
      tpu.enqueue_indirect_dma source(%dma_start3A_40 : memref<10000x128xf32, #tpu.memory_space<hbm>>) target(%arg9 : memref<128x128xf32, #tpu.memory_space<vmem>>) offsets(%dma_start3A_37 : memref<128xi32, #tpu.memory_space<vmem>>) semaphore(%arg16 : memref<!tpu.dma_semaphore, #tpu.memory_space<semaphore_mem>>)
      %dma_wait3A_41 = arith.constant 0 : i32
      %dma_wait3A_42 = arith.constant 0 : i32
      %dma_wait3A_43 = tpu.memref_slice %arg8[%dma_wait3A_41, %dma_wait3A_42] : memref<2x128xi32, #tpu.memory_space<vmem>> -> memref<1x128xi32, #tpu.memory_space<vmem>>
      %dma_wait3A_44 = tpu.memref_squeeze %dma_wait3A_43 : memref<1x128xi32, #tpu.memory_space<vmem>> -> memref<128xi32, #tpu.memory_space<vmem>>
      %dma_wait3A_45 = arith.constant 0 : i32
      %dma_wait3A_46 = arith.constant 0 : i32
      %dma_wait3A_47 = tpu.memref_slice %arg2[%dma_wait3A_45, %dma_wait3A_46] : memref<10000x128xf32, #tpu.memory_space<hbm>> -> memref<10000x128xf32, #tpu.memory_space<hbm>>
      tpu.wait_indirect_dma semaphore(%arg16 : memref<!tpu.dma_semaphore, #tpu.memory_space<semaphore_mem>>) src(%dma_wait3A_47 : memref<10000x128xf32, #tpu.memory_space<hbm>>) dst(%arg9 : memref<128x128xf32, #tpu.memory_space<vmem>>)
      %dma_start3A_48 = arith.constant 1 : i32
      %dma_start3A_49 = arith.constant 0 : i32
      %dma_start3A_50 = tpu.memref_slice %arg8[%dma_start3A_48, %dma_start3A_49] : memref<2x128xi32, #tpu.memory_space<vmem>> -> memref<1x128xi32, #tpu.memory_space<vmem>>
      %dma_start3A_51 = tpu.memref_squeeze %dma_start3A_50 : memref<1x128xi32, #tpu.memory_space<vmem>> -> memref<128xi32, #tpu.memory_space<vmem>>
      %dma_start3A_52 = arith.constant 0 : i32
      %dma_start3A_53 = arith.constant 0 : i32
      %dma_start3A_54 = tpu.memref_slice %arg13[%dma_start3A_52, %dma_start3A_53] : memref<10000x128xf32, #tpu.memory_space<vmem_shared>> -> memref<10000x128xf32, #tpu.memory_space<vmem_shared>>
      tpu.enqueue_indirect_dma source(%arg9 : memref<128x128xf32, #tpu.memory_space<vmem>>) target(%dma_start3A_54 : memref<10000x128xf32, #tpu.memory_space<vmem_shared>>) offsets(%dma_start3A_51 : memref<128xi32, #tpu.memory_space<vmem>>) semaphore(%arg18 : memref<!tpu.dma_semaphore, #tpu.memory_space<semaphore_mem>>) {add = true}
      %get3A = arith.constant 1 : i32
      %get3A_55 = arith.index_cast %get3A : i32 to index
      %get3A_56 = arith.constant 0 : index
      %get3A_57 = tpu.vector_load %arg8[%get3A_55, %get3A_56] {strides = array<i32>} : memref<2x128xi32, #tpu.memory_space<vmem>>, vector<16xi32>,
      tpu.vector_store_idx %arg12[%get3A_57], %broadcast_in_dim3A_3 {add = true} : memref<10000xf32, #tpu.memory_space<vmem>>[vector<16xi32>], vector<16xf32>,
      %get3A_58 = arith.constant 1 : i32
      %get3A_59 = arith.index_cast %get3A_58 : i32 to index
      %get3A_60 = arith.constant 16 : index
      %get3A_61 = tpu.vector_load %arg8[%get3A_59, %get3A_60] {strides = array<i32>} : memref<2x128xi32, #tpu.memory_space<vmem>>, vector<16xi32>,
      tpu.vector_store_idx %arg12[%get3A_61], %broadcast_in_dim3A_3 {add = true} : memref<10000xf32, #tpu.memory_space<vmem>>[vector<16xi32>], vector<16xf32>,
      %get3A_62 = arith.constant 1 : i32
      %get3A_63 = arith.index_cast %get3A_62 : i32 to index
      %get3A_64 = arith.constant 32 : index
      %get3A_65 = tpu.vector_load %arg8[%get3A_63, %get3A_64] {strides = array<i32>} : memref<2x128xi32, #tpu.memory_space<vmem>>, vector<16xi32>,
      tpu.vector_store_idx %arg12[%get3A_65], %broadcast_in_dim3A_3 {add = true} : memref<10000xf32, #tpu.memory_space<vmem>>[vector<16xi32>], vector<16xf32>,
      %get3A_66 = arith.constant 1 : i32
      %get3A_67 = arith.index_cast %get3A_66 : i32 to index
      %get3A_68 = arith.constant 48 : index
      %get3A_69 = tpu.vector_load %arg8[%get3A_67, %get3A_68] {strides = array<i32>} : memref<2x128xi32, #tpu.memory_space<vmem>>, vector<16xi32>,
      tpu.vector_store_idx %arg12[%get3A_69], %broadcast_in_dim3A_3 {add = true} : memref<10000xf32, #tpu.memory_space<vmem>>[vector<16xi32>], vector<16xf32>,
      %get3A_70 = arith.constant 1 : i32
      %get3A_71 = arith.index_cast %get3A_70 : i32 to index
      %get3A_72 = arith.constant 64 : index
      %get3A_73 = tpu.vector_load %arg8[%get3A_71, %get3A_72] {strides = array<i32>} : memref<2x128xi32, #tpu.memory_space<vmem>>, vector<16xi32>,
      tpu.vector_store_idx %arg12[%get3A_73], %broadcast_in_dim3A_3 {add = true} : memref<10000xf32, #tpu.memory_space<vmem>>[vector<16xi32>], vector<16xf32>,
      %get3A_74 = arith.constant 1 : i32
      %get3A_75 = arith.index_cast %get3A_74 : i32 to index
      %get3A_76 = arith.constant 80 : index
      %get3A_77 = tpu.vector_load %arg8[%get3A_75, %get3A_76] {strides = array<i32>} : memref<2x128xi32, #tpu.memory_space<vmem>>, vector<16xi32>,
      tpu.vector_store_idx %arg12[%get3A_77], %broadcast_in_dim3A_3 {add = true} : memref<10000xf32, #tpu.memory_space<vmem>>[vector<16xi32>], vector<16xf32>,
      %get3A_78 = arith.constant 1 : i32
      %get3A_79 = arith.index_cast %get3A_78 : i32 to index
      %get3A_80 = arith.constant 96 : index
      %get3A_81 = tpu.vector_load %arg8[%get3A_79, %get3A_80] {strides = array<i32>} : memref<2x128xi32, #tpu.memory_space<vmem>>, vector<16xi32>,
      tpu.vector_store_idx %arg12[%get3A_81], %broadcast_in_dim3A_3 {add = true} : memref<10000xf32, #tpu.memory_space<vmem>>[vector<16xi32>], vector<16xf32>,
      %get3A_82 = arith.constant 1 : i32
      %get3A_83 = arith.index_cast %get3A_82 : i32 to index
      %get3A_84 = arith.constant 112 : index
      %get3A_85 = tpu.vector_load %arg8[%get3A_83, %get3A_84] {strides = array<i32>} : memref<2x128xi32, #tpu.memory_space<vmem>>, vector<16xi32>,
      tpu.vector_store_idx %arg12[%get3A_85], %broadcast_in_dim3A_3 {add = true} : memref<10000xf32, #tpu.memory_space<vmem>>[vector<16xi32>], vector<16xf32>,
      %dma_wait3A_86 = arith.constant 1 : i32
      %dma_wait3A_87 = arith.constant 0 : i32
      %dma_wait3A_88 = tpu.memref_slice %arg8[%dma_wait3A_86, %dma_wait3A_87] : memref<2x128xi32, #tpu.memory_space<vmem>> -> memref<1x128xi32, #tpu.memory_space<vmem>>
      %dma_wait3A_89 = tpu.memref_squeeze %dma_wait3A_88 : memref<1x128xi32, #tpu.memory_space<vmem>> -> memref<128xi32, #tpu.memory_space<vmem>>
      %dma_wait3A_90 = arith.constant 0 : i32
      %dma_wait3A_91 = arith.constant 0 : i32
      %dma_wait3A_92 = tpu.memref_slice %arg13[%dma_wait3A_90, %dma_wait3A_91] : memref<10000x128xf32, #tpu.memory_space<vmem_shared>> -> memref<10000x128xf32, #tpu.memory_space<vmem_shared>>
      tpu.wait_indirect_dma semaphore(%arg18 : memref<!tpu.dma_semaphore, #tpu.memory_space<semaphore_mem>>) src(%arg9 : memref<128x128xf32, #tpu.memory_space<vmem>>) dst(%dma_wait3A_92 : memref<10000x128xf32, #tpu.memory_space<vmem_shared>>)
    } else {
    }
    %barrier3A_11 = arith.constant 0 : index
    tpu.barrier barrier_id(%barrier3A_11)
    %mul3A_12 = arith.constant 624 : i32
    %mul3A_13 = arith.muli %arg1, %mul3A_12 : i32
    %mul3A_14 = arith.constant 624 : i32
    %mul3A_15 = arith.muli %arg1, %mul3A_14 : i32
    "tpu.region"() ({
      %run_scoped3A = tpu.sem_alloc : memref<!tpu.dma_semaphore, #tpu.memory_space<semaphore_mem>>
      %dma_start3A = arith.constant 0 : i32
      %dma_start3A_18 = tpu.memref_slice %arg6[%arg0, %mul3A_15, %dma_start3A] : memref<2x10000x128xf32, #tpu.memory_space<hbm>> -> memref<1x640x128xf32, #tpu.memory_space<hbm>>
      %dma_start3A_19 = tpu.memref_squeeze %dma_start3A_18 : memref<1x640x128xf32, #tpu.memory_space<hbm>> -> memref<640x128xf32, #tpu.memory_space<hbm>>
      %dma_start3A_20 = arith.constant 0 : i32
      %dma_start3A_21 = tpu.memref_slice %arg13[%mul3A_13, %dma_start3A_20] : memref<10000x128xf32, #tpu.memory_space<vmem_shared>> -> memref<640x128xf32, #tpu.memory_space<vmem_shared>>
      tpu.enqueue_dma source(%dma_start3A_21 : memref<640x128xf32, #tpu.memory_space<vmem_shared>>) target(%dma_start3A_19 : memref<640x128xf32, #tpu.memory_space<hbm>>) target_semaphore(%run_scoped3A : memref<!tpu.dma_semaphore, #tpu.memory_space<semaphore_mem>>)
      %dma_wait3A = arith.constant 0 : i32
      %dma_wait3A_22 = tpu.memref_slice %arg6[%arg0, %mul3A_15, %dma_wait3A] : memref<2x10000x128xf32, #tpu.memory_space<hbm>> -> memref<1x640x128xf32, #tpu.memory_space<hbm>>
      %dma_wait3A_23 = tpu.memref_squeeze %dma_wait3A_22 : memref<1x640x128xf32, #tpu.memory_space<hbm>> -> memref<640x128xf32, #tpu.memory_space<hbm>>
      %dma_wait3A_24 = arith.constant 0 : i32
      %dma_wait3A_25 = tpu.memref_slice %arg13[%mul3A_13, %dma_wait3A_24] : memref<10000x128xf32, #tpu.memory_space<vmem_shared>> -> memref<640x128xf32, #tpu.memory_space<vmem_shared>>
      tpu.wait_dma2 semaphore(%run_scoped3A : memref<!tpu.dma_semaphore, #tpu.memory_space<semaphore_mem>>) src(%dma_wait3A_25 : memref<640x128xf32, #tpu.memory_space<vmem_shared>>) dst(%dma_wait3A_23 : memref<640x128xf32, #tpu.memory_space<hbm>>)
      tpu.yield
    }) : () -> ()
    %mul3A_16 = arith.constant 10000 : i32
    %mul3A_17 = arith.muli %add3A, %mul3A_16 : i32
    "tpu.region"() ({
      %run_scoped3A = tpu.sem_alloc : memref<!tpu.dma_semaphore, #tpu.memory_space<semaphore_mem>>
      %dma_start3A = tpu.memref_slice %arg7[%mul3A_17] : memref<320000xf32, #tpu.memory_space<hbm>> -> memref<10000xf32, #tpu.memory_space<hbm>>
      %dma_start3A_18 = tpu.memref_slice %arg7[%mul3A_17] : memref<320000xf32, #tpu.memory_space<hbm>> -> memref<10000xf32, #tpu.memory_space<hbm>>
      tpu.enqueue_dma source(%arg12 : memref<10000xf32, #tpu.memory_space<vmem>>) target(%dma_start3A_18 : memref<10000xf32, #tpu.memory_space<hbm>>) target_semaphore(%run_scoped3A : memref<!tpu.dma_semaphore, #tpu.memory_space<semaphore_mem>>)
      %dma_wait3A = tpu.memref_slice %arg7[%mul3A_17] : memref<320000xf32, #tpu.memory_space<hbm>> -> memref<10000xf32, #tpu.memory_space<hbm>>
      %dma_wait3A_19 = tpu.memref_slice %arg7[%mul3A_17] : memref<320000xf32, #tpu.memory_space<hbm>> -> memref<10000xf32, #tpu.memory_space<hbm>>
      tpu.wait_dma2 semaphore(%run_scoped3A : memref<!tpu.dma_semaphore, #tpu.memory_space<semaphore_mem>>) src(%arg12 : memref<10000xf32, #tpu.memory_space<vmem>>) dst(%dma_wait3A_19 : memref<10000xf32, #tpu.memory_space<hbm>>)
      tpu.yield
    }) : () -> ()
    return
  }
}

module attributes {stable_mosaic.version = 14 : i64} {
  func.func @_finish_body(%arg0: i32, %arg1: memref<2x2000x128xf32, #tpu.memory_space<vmem>>, %arg2: memref<2000x32xf32, #tpu.memory_space<vmem>>, %arg3: memref<2000x128xf32, #tpu.memory_space<vmem>>, %arg4: memref<128x128xf32, #tpu.memory_space<vmem>>, %arg5: memref<128x128xf32, #tpu.memory_space<vmem>>, %arg6: memref<1x128xf32, #tpu.memory_space<vmem>>, %arg7: memref<2000x128xf32, #tpu.memory_space<vmem>>) attributes {dimension_semantics = [#tpu.dimension_semantics<arbitrary>], iteration_bounds = array<i64: 5>, scalar_prefetch = 0 : i64, scratch_operands = 0 : i64, tpu.core_type = #tpu.core_type<tc>, window_params = [{transform_indices = @transform_0, window_bounds = array<i64: 2, 2000, 128>}, {transform_indices = @transform_1, window_bounds = array<i64: 2000, 32>}, {transform_indices = @transform_2, window_bounds = array<i64: 2000, 128>}, {pipeline_mode = #tpu.pipeline_mode<synchronous>, transform_indices = @transform_3, window_bounds = array<i64: 128, 128>}, {pipeline_mode = #tpu.pipeline_mode<synchronous>, transform_indices = @transform_4, window_bounds = array<i64: 128, 128>}, {pipeline_mode = #tpu.pipeline_mode<synchronous>, transform_indices = @transform_5, window_bounds = array<i64: 1, 128>}, {transform_indices = @transform_6, window_bounds = array<i64: 2000, 128>}]} {
    %get3A = arith.constant 0 : index
    %get3A_0 = arith.constant 0 : index
    %get3A_1 = arith.constant 0 : index
    %get3A_2 = vector.load %arg1[%get3A, %get3A_0, %get3A_1] : memref<2x2000x128xf32, #tpu.memory_space<vmem>>, vector<1x2000x128xf32>
    %get3A_3 = vector.shape_cast %get3A_2 : vector<1x2000x128xf32> to vector<2000x128xf32>
    %get3A_4 = arith.constant 1 : index
    %get3A_5 = arith.constant 0 : index
    %get3A_6 = arith.constant 0 : index
    %get3A_7 = vector.load %arg1[%get3A_4, %get3A_5, %get3A_6] : memref<2x2000x128xf32, #tpu.memory_space<vmem>>, vector<1x2000x128xf32>
    %get3A_8 = vector.shape_cast %get3A_7 : vector<1x2000x128xf32> to vector<2000x128xf32>
    %add3A = arith.addf %get3A_3, %get3A_8 : vector<2000x128xf32>
    %get3A_9 = arith.constant 0 : index
    %get3A_10 = arith.constant 0 : index
    %get3A_11 = vector.load %arg2[%get3A_9, %get3A_10] : memref<2000x32xf32, #tpu.memory_space<vmem>>, vector<2000x32xf32>
    %reduce_sum3A = arith.constant dense<0.000000e+00> : vector<2000xf32>
    %reduce_sum3A_12 = vector.multi_reduction <add>, %get3A_11, %reduce_sum3A [1] : vector<2000x32xf32> to vector<2000xf32>
    %max3A = arith.constant 1.000000e+00 : f32
    %max3A_13 = vector.broadcast %max3A : f32 to vector<2000xf32>
    %max3A_14 = arith.maximumf %reduce_sum3A_12, %max3A_13 : vector<2000xf32>
    %div3A = arith.constant 1.000000e+00 : f32
    %div3A_15 = vector.broadcast %div3A : f32 to vector<2000xf32>
    %div3A_16 = arith.divf %div3A_15, %max3A_14 : vector<2000xf32>
    %broadcast_in_dim3A = vector.shape_cast %div3A_16 : vector<2000xf32> to vector<2000x1xf32>
    %mul3A = vector.broadcast %broadcast_in_dim3A : vector<2000x1xf32> to vector<2000x128xf32>
    %mul3A_17 = arith.mulf %add3A, %mul3A : vector<2000x128xf32>
    %get3A_18 = arith.constant 0 : index
    %get3A_19 = arith.constant 0 : index
    %get3A_20 = vector.load %arg4[%get3A_18, %get3A_19] : memref<128x128xf32, #tpu.memory_space<vmem>>, vector<128x128xf32>
    %dot_general3A = arith.constant dense<0.000000e+00> : vector<2000x128xf32>
    %dot_general3A_21 = tpu.matmul %mul3A_17, %get3A_20, %dot_general3A {dimension_numbers = #tpu.dot_dimension_numbers<[1], [0], [0], [1], [0, 0, 1, 1], [], []>, transpose_lhs_hint = false} : vector<2000x128xf32>, vector<128x128xf32>, vector<2000x128xf32> -> vector<2000x128xf32>
    %get3A_22 = arith.constant 0 : index
    %get3A_23 = arith.constant 0 : index
    %get3A_24 = vector.load %arg3[%get3A_22, %get3A_23] : memref<2000x128xf32, #tpu.memory_space<vmem>>, vector<2000x128xf32>
    %get3A_25 = arith.constant 0 : index
    %get3A_26 = arith.constant 0 : index
    %get3A_27 = vector.load %arg5[%get3A_25, %get3A_26] : memref<128x128xf32, #tpu.memory_space<vmem>>, vector<128x128xf32>
    %dot_general3A_28 = arith.constant dense<0.000000e+00> : vector<2000x128xf32>
    %dot_general3A_29 = tpu.matmul %get3A_24, %get3A_27, %dot_general3A_28 {dimension_numbers = #tpu.dot_dimension_numbers<[1], [0], [0], [1], [0, 0, 1, 1], [], []>, transpose_lhs_hint = false} : vector<2000x128xf32>, vector<128x128xf32>, vector<2000x128xf32> -> vector<2000x128xf32>
    %add3A_30 = arith.addf %dot_general3A_21, %dot_general3A_29 : vector<2000x128xf32>
    %get3A_31 = arith.constant 0 : index
    %get3A_32 = arith.constant 0 : index
    %get3A_33 = vector.load %arg6[%get3A_31, %get3A_32] : memref<1x128xf32, #tpu.memory_space<vmem>>, vector<1x128xf32>
    %add3A_34 = vector.broadcast %get3A_33 : vector<1x128xf32> to vector<2000x128xf32>
    %add3A_35 = arith.addf %add3A_30, %add3A_34 : vector<2000x128xf32>
    %swap3A = arith.constant 0 : index
    %swap3A_36 = arith.constant 0 : index
    %swap3A_37 = vector.load %arg7[%swap3A, %swap3A_36] : memref<2000x128xf32, #tpu.memory_space<vmem>>, vector<2000x128xf32>
    tpu.vector_store %arg7[%swap3A, %swap3A_36], %add3A_35 {strides = array<i32>} : memref<2000x128xf32, #tpu.memory_space<vmem>>, vector<2000x128xf32>,
    return
  }
  func.func @transform_0(%arg0: i32) -> (i32, i32, i32) {
    %c0_i32 = arith.constant 0 : i32
    %c0_i32_0 = arith.constant 0 : i32
    %c0_i32_1 = arith.constant 0 : i32
    return %c0_i32, %arg0, %c0_i32_0 : i32, i32, i32
  }
  func.func @transform_1(%arg0: i32) -> (i32, i32) {
    %c0_i32 = arith.constant 0 : i32
    %c0_i32_0 = arith.constant 0 : i32
    return %arg0, %c0_i32 : i32, i32
  }
  func.func @transform_2(%arg0: i32) -> (i32, i32) {
    %c0_i32 = arith.constant 0 : i32
    %c0_i32_0 = arith.constant 0 : i32
    return %arg0, %c0_i32 : i32, i32
  }
  func.func @transform_3(%arg0: i32) -> (i32, i32) {
    %c0_i32 = arith.constant 0 : i32
    %c0_i32_0 = arith.constant 0 : i32
    %c0_i32_1 = arith.constant 0 : i32
    return %c0_i32, %c0_i32_0 : i32, i32
  }
  func.func @transform_4(%arg0: i32) -> (i32, i32) {
    %c0_i32 = arith.constant 0 : i32
    %c0_i32_0 = arith.constant 0 : i32
    %c0_i32_1 = arith.constant 0 : i32
    return %c0_i32, %c0_i32_0 : i32, i32
  }
  func.func @transform_5(%arg0: i32) -> (i32, i32) {
    %c0_i32 = arith.constant 0 : i32
    %c0_i32_0 = arith.constant 0 : i32
    %c0_i32_1 = arith.constant 0 : i32
    return %c0_i32, %c0_i32_0 : i32, i32
  }
  func.func @transform_6(%arg0: i32) -> (i32, i32) {
    %c0_i32 = arith.constant 0 : i32
    %c0_i32_0 = arith.constant 0 : i32
    return %arg0, %c0_i32 : i32, i32
  }
}

</mosaic_0001>

<sc_bundles>
// kernel: kernel.4.cloned.1.call-start
scs
__scs_entry_jumppad:
0x0: {  	(pc) =	sbr.rel $0x88, $3  }
0x1: {  	(tag) =	ssettag $0x0;
	lr =	simm.s32 $0x1  }
0x2: {  	[smem:$0x3F9D] =	sst lr;
	_ =	strace $0xD0000000  }
0x3: {  	_ = 	snop  }
0x4: {  	_ = 	snop  }
0x5: {  	_ = 	snop  }
0x6: {  	_ = 	snop  }
0x7: {  	_ = 	snop  }
__scs_overlays_trampoline_lowered:
0x8: {  	[smem:$0x3FAC] =	sst s0  }
0x9: {  	[smem:$0x3FAD] =	sst s1  }
0xa: {  	[smem:$0x3FAE] =	sst s2  }
0xb: {  	[smem:$0x3FAF] =	sst s3  }
0xc: {  	[smem:$0x3FB0] =	sst s4  }
0xd: {  	[smem:$0x3FB1] =	sst s5  }
0xe: {  	[smem:$0x3FB2] =	sst s6  }
0xf: {  	[smem:$0x3FB3] =	sst s7  }
0x10: {  	[smem:$0x3FB4] =	sst s8  }
0x11: {  	[smem:$0x3FB5] =	sst s9;
	s0 =	simm.s32 @!p0 $0x0  }
0x12: {  	s1 =	sld [smem:$0x3F9B];
	s0 =	simm.s32 @p0 $0x1  }
0x13: {  	[smem:$0x3FB6] =	sst s0;
	s0 =	simm.s32 @!p1 $0x0  }
0x14: {  	s2 =	sld [smem:$0x3F9A];
	s0 =	simm.s32 @p1 $0x1  }
0x15: {  	[smem:$0x3FB7] =	sst s0;
	s0 =	simm.s32 @!p2 $0x0  }
0x16: {  	s3 =	sld [smem:$0x3FDB];
	s0 =	simm.s32 @p2 $0x1  }
0x17: {  	s4 =	simm.s32 $0x1BF5;
	[smem:$0x3FB9] =	sst s0  }
0x18: {  	s0 =	sld [smem:$0x3F9C];
	_ =	swait.ge [sflag:s4], $0x0  }
0x19: {  	s7 =	sld [smem:$0x3F9D]  }
0x1a: {  	s8 =	sadd.s32 $0xFFFFE003, lr  }
0x1b: {  	s9 =	sadd.s32 $0xFFFFFEF7, lr;
	s5 =	simm.s32 $0xFFFFFFFF;
	p2 =	slt.u32 s8, $0xFFFFF086  }
0x1c: {  	p1 =	slt.u32 s9, $0xF7A;
	s5 =	simm.s32 @!p2 $0x0  }
0x1d: {  	s5 =	simm.s32 @p1 $0x1;
	p0 =	seq.s32 s7, s2  }
0x1e: {  	s7 =	smul.u32 @!p0 $0xF7A, s2;
	p2 =	seq.s32 @!p0 s5, $0x0  }
0x1f: {  	s9 =	smul.u32 $0xF7A, s1;
	s8 =	simm.s32 @!p0 $0x1BF5;
	p2 =	por !p2, p0  }
0x20: {  	[sflag:s8] =	ssyncset.s32 @!p0 $0xFFFFF086;
	s6 =	sadd.s32 @!p0 s3, s7;
	s7 =	simm.s32 @!p0 $0x108  }
0x21: {  	s3 =	sadd.s32 s3, s9;
	s6 =	sadd.s32 @!p0 $0x88, s6;
	s7 =	simm.s32 @p2 $0x1082  }
0x22: {  	[simem:s7], [sflag:s8] =	dma.local @!p0 [hbm:s6], $0xF7A  }
0x23: {  	s9 =	sor.u32 $0xD0000000, s2;
	s6 =	simm.s32 $0x108;
	_ =	swait.ge @!p0 [sflag:s8], $0x0  }
0x24: {  	s3 =	sadd.s32 $0x88, s3;
	s6 =	simm.s32 @!p1 $0x1082;
	[sflag:s4] =	ssyncset.s32 $0xFFFFF086  }
0x25: {  	[simem:s6], [sflag:s4] =	dma.local [hbm:s3], $0xF7A  }
0x26: {  	[smem:$0x3F9D] =	sst s1;
	(tag) =	ssettag s2;
	_ =	strace s9  }
0x27: {  	s1 =	sld [smem:$0x3FAD]  }
0x28: {  	s2 =	sld [smem:$0x3FAE]  }
0x29: {  	s4 =	sld [smem:$0x3FB0]  }
0x2a: {  	p0 =	seq.s32 s5, $0x0;
	s5 =	sld [smem:$0x3FB1]  }
0x2b: {  	s6 =	sld [smem:$0x3FB2]  }
0x2c: {  	s7 =	sld [smem:$0x3FB3]  }
0x2d: {  	s3 =	simm.s32 $0x108;
	s8 =	sld [smem:$0x3FB4]  }
0x2e: {  	s3 =	simm.s32 @!p0 $0x1082;
	s9 =	sld [smem:$0x3FB5]  }
0x2f: {  	lr =	sadd.s32 s0, s3;
	s0 =	sld [smem:$0x3FAC]  }
0x30: {  	s3 =	sld [smem:$0x3FAF]  }
0x31: {  	[smem:$0x3FB8] =	sst s10  }
0x32: {  	s10 =	sld [smem:$0x3FB6];
	_ =	sdelay $0x3  }
0x33: {  	p0 =	seq.s32 s10, $0x1;
	s10 =	sld [smem:$0x3FB8];
	_ =	sdelay $0x3  }
0x34: {  	[smem:$0x3FB8] =	sst s10  }
0x35: {  	s10 =	sld [smem:$0x3FB7];
	_ =	sdelay $0x3  }
0x36: {  	p1 =	seq.s32 s10, $0x1;
	s10 =	sld [smem:$0x3FB8];
	_ =	sdelay $0x3  }
0x37: {  	[smem:$0x3FB8] =	sst s10  }
0x38: {  	s10 =	sld [smem:$0x3FB9]  }
0x39: {  	_ = 	snop;
	(pc) =	sbr.ind lr, $3  }
0x3a: {  	_ = 	snop  }
0x3b: {  	_ = 	snop  }
0x3c: {  	p2 =	seq.s32 s10, $0x1;
	s10 =	sld [smem:$0x3FB8]  }
0x3d: {  	_ =	shalt  }
0x3e: {  	_ =	shalt  }
0x3f: {  	_ =	shalt  }
0x40: {  	_ =	shalt  }
0x41: {  	_ =	shalt  }
0x42: {  	_ =	shalt  }
0x43: {  	_ =	shalt  }
0x44: {  	_ =	shalt  }
0x45: {  	_ =	shalt  }
0x46: {  	_ =	shalt  }
0x47: {  	_ =	shalt  }
0x48: {  	_ =	shalt  }
0x49: {  	_ =	shalt  }
0x4a: {  	_ =	shalt  }
0x4b: {  	_ =	shalt  }
0x4c: {  	_ =	shalt  }
0x4d: {  	_ =	shalt  }
0x4e: {  	_ =	shalt  }
0x4f: {  	_ =	shalt  }
0x50: {  	_ =	shalt  }
0x51: {  	_ =	shalt  }
0x52: {  	_ =	shalt  }
0x53: {  	_ =	shalt  }
0x54: {  	_ =	shalt  }
0x55: {  	_ =	shalt  }
0x56: {  	_ =	shalt  }
0x57: {  	_ =	shalt  }
0x58: {  	_ =	shalt  }
0x59: {  	_ =	shalt  }
0x5a: {  	_ =	shalt  }
0x5b: {  	_ =	shalt  }
0x5c: {  	_ =	shalt  }
0x5d: {  	_ =	shalt  }
0x5e: {  	_ =	shalt  }
0x5f: {  	_ =	shalt  }
0x60: {  	_ =	shalt  }
0x61: {  	_ =	shalt  }
0x62: {  	_ =	shalt  }
0x63: {  	_ =	shalt  }
0x64: {  	_ =	shalt  }
0x65: {  	_ =	shalt  }
0x66: {  	_ =	shalt  }
0x67: {  	_ =	shalt  }
0x68: {  	_ =	shalt  }
0x69: {  	_ =	shalt  }
0x6a: {  	_ =	shalt  }
0x6b: {  	_ =	shalt  }
0x6c: {  	_ =	shalt  }
0x6d: {  	_ =	shalt  }
0x6e: {  	_ =	shalt  }
0x6f: {  	_ =	shalt  }
0x70: {  	_ =	shalt  }
0x71: {  	_ =	shalt  }
0x72: {  	_ =	shalt  }
0x73: {  	_ =	shalt  }
0x74: {  	_ =	shalt  }
0x75: {  	_ =	shalt  }
0x76: {  	_ =	shalt  }
0x77: {  	_ =	shalt  }
0x78: {  	_ =	shalt  }
0x79: {  	_ =	shalt  }
0x7a: {  	_ =	shalt  }
0x7b: {  	_ =	shalt  }
0x7c: {  	_ =	shalt  }
0x7d: {  	_ =	shalt  }
0x7e: {  	_ =	shalt  }
0x7f: {  	_ =	shalt  }
0x80: {  	_ =	shalt  }
0x81: {  	_ =	shalt  }
0x82: {  	_ =	shalt  }
0x83: {  	_ =	shalt  }
0x84: {  	_ =	shalt  }
0x85: {  	_ =	shalt  }
0x86: {  	_ =	shalt  }
0x87: {  	_ =	shalt  }
.Lfunc_end0:
.L_simem_size_0:
called_computation_lowered:
.L_overlay_start_0:
0x88: {  	s2 =	sld [smem:$0x3FD9]  }
0x89: {  	s3 =	sld [smem:$0x3FFE];
	_ =	sdelay $0x1  }
0x8a: {  	s1 =	srdreg.scid  }
0x8b: {  	s0 =	sand.u32 $0x1, s1  }
0x8c: {  	s17 =	sshll.u32 s0, $0xA;
	s2 =	sadd.s32 s3, s2  }
0x8d: {  	s2 =	sadd.s32 s2, s17  }
0x8e: {  	[smem:$0x3FC4] =	sst s2  }
0x8f: {  	_ = 	snop  }
0x90: {  	s2 =	sld [smem:$0x3FC9]  }
0x91: {  	s18 =	sld [smem:$0x3FD0];
	(tm) =	ssettm $0x1  }
0x92: {  	s4 =	sld [smem:$0x3FFB];
	_ =	sdelay $0x3  }
0x93: {  	_ =	strace s4  }
0x94: {  	s4 =	sld [smem:$0x3FFC];
	_ =	sdelay $0x3  }
0x95: {  	_ =	strace s4  }
0x96: {  	s4 =	sld [smem:$0x3FFD];
	_ =	sdelay $0x3  }
0x97: {  	_ =	strace s4  }
0x98: {  	_ =	strace $0x8FFFFFFF  }
0x99: {  	s19 =	sld [smem:$0x3FDB];
	_ =	sdelay $0x1  }
0x9a: {  	s5 =	simm.s32 $_scs_section_size  }
0x9b: {  	s6 =	simm.s32 $_size__tile_overlayer_lowered;
	s7 =	simm.s32 $_tile_overlayer_lowered  }
0x9c: {  	s22 =	simm.s32 $0x1BFF;
	s21 =	sshll.u32 s7, $0x1;
	s4 =	sadd.s32 s5, s19  }
0x9d: {  	s8 =	simm.s32 $0x0;
	s20 =	sshll.u32 s6, $0x1;
	s6 =	sadd.s32 s21, s4  }
0x9e: {  	[timem:s8], [sflag:s22] =	dma.local [hbm:s6], s20  }
0x9f: {  	_ =	swait.ge [sflag:s22], s20  }
0xa0: {  	s5 =	ssub.s32 $0x0, s20;
	[sflag:s22] =	ssyncset.done $0x0  }
0xa1: {  	[sflag:s22] =	ssyncadd.s32 s5;
	_ =	sdelay $0x1  }
0xa2: {  	s23 =	simm.s32 $0x1B8B  }
0xa3: {  	_ =	swait.ge [sflag:s23], $0x1  }
0xa4: {  	[sflag:s23] =	ssyncset.done $0x0  }
0xa5: {  	s25 =	simm.s32 $0x1B8E;
	s24 =	sld [smem:$0x3FFE];
	[sflag:s23] =	ssyncadd.s32 $0xFFFFFFFF  }
0xa6: {  	s26 =	simm.s32 $execute0_lowered;
	[smem:$0x3FD2] =	sst s25  }
0xa7: {  	s6 =	sshll.u32 s26, $0x1;
	_ =	strace $0x80000046;
	[dreg:$0x1] =	wrdreg $0xFFFFFFFF  }
0xa8: {  	s28 =	simm.s32 $_size_execute0_lowered;
	s4 =	sadd.s32 s4, s6;
	[dreg:$0x0] =	wrdreg $0x0  }
0xa9: {  	s6 =	sshll.u32 s28, $0x1;
	[dreg:$0x2] =	wrdreg s4  }
0xaa: {  	[dreg:$0x3] =	wrdreg s6  }
0xab: {  	[dreg:$0x4] =	wrdreg $0xC0  }
0xac: {  	_ =	task [dreg:s8], $0x5FFFF  }
0xad: {  	[dreg:$0x1] =	wrdreg $0xFFFFFFFF  }
0xae: {  	[dreg:$0x0] =	wrdreg $0x60  }
0xaf: {  	[dreg:$0x2] =	wrdreg s2  }
0xb0: {  	[dreg:$0x3] =	wrdreg s18  }
0xb1: {  	[dreg:$0x4] =	wrdreg s24  }
0xb2: {  	[dreg:$0x5] =	wrdreg $0xA9800  }
0xb3: {  	[dreg:$0x6] =	wrdreg $0x9  }
0xb4: {  	_ =	task.clear_ibuf [dreg:s8], $0x7FFFF;
	_ =	strace $0x90000046  }
0xb5: {  	s29 =	simm.s32 $0x9;
	_ =	strace $0x80000048  }
0xb6: {  	_ =	swait.ge [sflag:s29], $0x1  }
0xb7: {  	[sflag:s29] =	ssyncadd.s32 $0xFFFFFFFF  }
0xb8: {  	_ =	strace $0x90000048  }
0xb9: {  	_ =	sfence  }
0xba: {  	s30 =	sld [smem:$0x0];
	_ =	sdelay $0x2  }
0xbb: {  	s31 =	sshll.u32 s1, $0xD;
	s1 =	sshrl.u32 s1, $0x2  }
0xbc: {  	s3 =	sand.u32 $0x4000, s31;
	s1 =	sadd.s32 s1, s30  }
0xbd: {  	s0 =	sor.u32 s3, s0;
	s1 =	sshll.u32 s1, $0x11  }
0xbe: {  	s0 =	sor.u32 s1, s0  }
0xbf: {  	s0 =	sadd.s32 $0x8F2B, s0  }
0xc0: {  	[sflag:s0] =	ssyncadd.remote.s32 $0x1  }
0xc1: {  	_ =	sfence.sel $0xFFFF  }
0xc2: {  	[dreg:$0x0] =	wrdreg $0xFFFFFFFF;
	(pc) =	sbr.abs _section_cstart, $3  }
0xc3: {  	[dreg:$0x1] =	wrdreg $0xFFFFFFFF  }
0xc4: {  	_ =	task.clear_ibuf [dreg:s8], $0x2FFFF;
	_ =	strace $0x9FFFFFFF  }
0xc5: {  	(tm) =	ssettm $0x7FFFFFFF  }
tec
execute0_lowered:
.L_overlay_start_1:
0x0: {  	(tag) =	ssettag $0x1  }
0x1: {  	s1 =	rddreg [dreg:$0x0]  }
0x2: {  	s11 =	rddreg [dreg:$0x1]  }
0x3: {  	s7 =	rddreg [dreg:$0x2]  }
0x4: {  	s2 =	rddreg [dreg:$0x3]  }
0x5: {  	s3 =	srdreg.scid;
	s0 =	rddreg [dreg:$0x4];
	s4 =	simm.s32 $0x0  }
0x6: {  	s18 =	simm.s32 $0x80;
	s19 =	simm.s32 $0x100;
	s20 =	simm.s32 $0x2  }
0x7: {  	s21 =	simm.s32 $0x4200;
	s22 =	simm.s32 $0x3;
	s23 =	simm.s32 $0x4  }
0x8: {  	s24 =	simm.s32 $0x4180;
	s12 =	sand.u32 $0x1, s3;
	s3 =	stileid.u32  }
0x9: {  	s28 =	simm.s32 $0x0;
	[smem:$0x7FF] =	sst s4;
	s8 =	smul.u32 $0x138800, s12  }
0xa: {  	s5 =	sadd.s32 $0x2000, s7;
	s9 =	smul.u32 $0x13800, s3;
	s6 =	sshll.u32 s3, $0x1  }
0xb: {  	_ =	strace $0x80000047;
	s13 =	ssub.s32 $0x2, s12;
	s14 =	smul.u32 $0x4E000, s3  }
0xc: {  	s17 =	sshll.u32 s3, $0x6;
	p0 =	sgt.u32 s3, $0x1;
	s10 =	sor.u32 s12, s6  }
0xd: {  	s6 =	sadd.s32 $0x1A00, s7;
	s26 =	sshrl.u32 s13, $0x1;
	s31 =	sadd.s32 s17, s11  }
0xe: {  	s12 =	sshll.u32 s12, $0x5;
	s8 =	sadd.s32 s9, s8;
	s25 =	smul.u32 $0x4E2, s10  }
0xf: {  	s13 =	ssub.s32 s13, s26;
	s29 =	sshrl.u32 s14, $0x2;
	s30 =	sshll.u32 s10, $0x5  }
0x10: {  	s12 =	sadd.s32 s12, s31;
	s26 =	simm.s32 $0x6;
	s8 =	sshrl.u32 s8, $0x3  }
0x11: {  	s14 =	sadd.s32 s29, s2;
	s15 =	sadd.s32 s8, s7;
	s16 =	sadd.s32 s25, s7  }
0x12: {  	s8 =	sadd.s32 s30, s11;
	s7 =	sor.u32 $0x1C07, s17;
	s11 =	smax.u32 s13, $0x1  }
0x13: {  	s13 =	sshrl.u32 s14, $0x3;
	s14 =	simm.s32 $0x7;
	s17 =	simm.s32 $0x1  }
0x14: {  	s25 =	simm.s32 $0x5;
	s8 =	sadd.s32 $0x13800, s8;
	s9 =	sadd.s32 $0xE600, s15  }
0x15: {  	v0 =	vimm.f32 $1.000000000e+00;
	s10 =	sadd.s32 $0x4800, s16;
	s15 =	simm.s32 $0x8200;
	s16 =	simm.s32 $0x4100  }
.LBB2_1:
0x16: {  	[spmem:s13], [sflag:s7] =	dma.local [hbm:s5], $0x2800  }
0x17: {  	_ =	swait.ge [sflag:s14], $0x2800  }
0x18: {  	[sflag:s14] =	ssyncset.done $0x0  }
0x19: {  	[sflag:s14] =	ssyncadd.s32 $0xFFFFD800  }
0x1a: {  	[tilespmem:s15], [sflag:$0x7] =	stream.linear.gather [hbm4b:s6+s4], $0x2780, $0x38;
	[tilespmem:$0x1E200] =	vst v63  }
0x1b: {  	_ =	swait.ge [sflag:s14], $0x2780  }
0x1c: {  	[sflag:s14] =	ssyncset.done $0x0  }
0x1d: {  	[sflag:s14] =	ssyncadd.s32 $0xFFFFD880  }
0x1e: {  	s29 =	simm.s32 $0x0;
	[bflag:$0x0] =	sbarrier.arrive $0xFFFF  }
.LBB2_2:
0x1f: {  	s30 =	sadd.s32 s29, s12  }
0x20: {  	[tilespmem:s4], [sflag:$0x1] =	stream.linear.gather [hbm4b:s30+s4], $0x100, $0x38;
	[tilespmem:$0x1E200] =	vst v63  }
0x21: {  	s30 =	sadd.s32 $0x400, s30  }
0x22: {  	[tilespmem:s16], [sflag:$0x2] =	stream.linear.gather [hbm4b:s30+s4], $0x100, $0x38;
	[tilespmem:$0x1E200] =	vst v63  }
0x23: {  	_ =	swait.ge [sflag:s17], $0x100  }
0x24: {  	[sflag:s17] =	ssyncset.done $0x0  }
0x25: {  	[sflag:s17] =	ssyncadd.s32 $0xFFFFFF00  }
0x26: {  	[tilespmem:s19], [sflag:$0x3] =	stream.indirect.gather [hbm4b:s1+s18], $0x80, s4, s18, $0xb8;
	[tilespmem:$0x1E200] =	vst v63  }
0x27: {  	_ =	swait.ge [sflag:s20], $0x100  }
0x28: {  	[sflag:s20] =	ssyncset.done $0x0  }
0x29: {  	[sflag:s20] =	ssyncadd.s32 $0xFFFFFF00  }
0x2a: {  	[tilespmem:s21], [sflag:$0x4] =	stream.indirect.gather [hbm4b:s1+s18], $0x80, s16, s18, $0xb8;
	[tilespmem:$0x1E200] =	vst v63  }
0x2b: {  	_ =	swait.ge [sflag:s22], $0x4000  }
0x2c: {  	[sflag:s22] =	ssyncset.done $0x0  }
0x2d: {  	[sflag:s22] =	ssyncadd.s32 $0xFFFFC000  }
0x2e: {  	[spmem:s2] =	stream.indirect.scatter.add.f32 [tilespmem:s19], [sflag:$0x5], $0x80, s18, s18, $0xb8;
	[tilespmem:$0x1E200] =	vst v63  }
0x2f: {  	v1 =	vld [tilespmem:$0x80];
	_ =	sdelay $0x7  }
0x30: {  	[tilespmem:v1+s15+$0x0] =	vst.idx.add.f32.msk $0xffff, v0  }
0x31: {  	v1 =	vld [tilespmem:$0x90];
	_ =	sdelay $0x7  }
0x32: {  	[tilespmem:v1+s15+$0x0] =	vst.idx.add.f32.msk $0xffff, v0  }
0x33: {  	v1 =	vld [tilespmem:$0xA0];
	_ =	sdelay $0x7  }
0x34: {  	[tilespmem:v1+s15+$0x0] =	vst.idx.add.f32.msk $0xffff, v0  }
0x35: {  	v1 =	vld [tilespmem:$0xB0];
	_ =	sdelay $0x7  }
0x36: {  	[tilespmem:v1+s15+$0x0] =	vst.idx.add.f32.msk $0xffff, v0  }
0x37: {  	v1 =	vld [tilespmem:$0xC0];
	_ =	sdelay $0x7  }
0x38: {  	[tilespmem:v1+s15+$0x0] =	vst.idx.add.f32.msk $0xffff, v0  }
0x39: {  	v1 =	vld [tilespmem:$0xD0];
	_ =	sdelay $0x7  }
0x3a: {  	[tilespmem:v1+s15+$0x0] =	vst.idx.add.f32.msk $0xffff, v0  }
0x3b: {  	v1 =	vld [tilespmem:$0xE0];
	_ =	sdelay $0x7  }
0x3c: {  	[tilespmem:v1+s15+$0x0] =	vst.idx.add.f32.msk $0xffff, v0  }
0x3d: {  	v1 =	vld [tilespmem:$0xF0];
	_ =	sdelay $0x7  }
0x3e: {  	[tilespmem:v1+s15+$0x0] =	vst.idx.add.f32.msk $0xffff, v0  }
0x3f: {  	_ =	swait.ge [sflag:s23], $0x4000  }
0x40: {  	[sflag:s23] =	ssyncset.done $0x0  }
0x41: {  	[sflag:s23] =	ssyncadd.s32 $0xFFFFC000  }
0x42: {  	[spmem:s2] =	stream.indirect.scatter.add.f32 [tilespmem:s21], [sflag:$0x6], $0x80, s24, s18, $0xb8;
	[tilespmem:$0x1E200] =	vst v63  }
0x43: {  	v1 =	vld [tilespmem:$0x4180];
	_ =	sdelay $0x7  }
0x44: {  	[tilespmem:v1+s15+$0x0] =	vst.idx.add.f32.msk $0xffff, v0  }
0x45: {  	v1 =	vld [tilespmem:$0x4190];
	_ =	sdelay $0x7  }
0x46: {  	[tilespmem:v1+s15+$0x0] =	vst.idx.add.f32.msk $0xffff, v0  }
0x47: {  	v1 =	vld [tilespmem:$0x41A0];
	_ =	sdelay $0x7  }
0x48: {  	[tilespmem:v1+s15+$0x0] =	vst.idx.add.f32.msk $0xffff, v0  }
0x49: {  	v1 =	vld [tilespmem:$0x41B0];
	_ =	sdelay $0x7  }
0x4a: {  	[tilespmem:v1+s15+$0x0] =	vst.idx.add.f32.msk $0xffff, v0  }
0x4b: {  	v1 =	vld [tilespmem:$0x41C0];
	_ =	sdelay $0x7  }
0x4c: {  	[tilespmem:v1+s15+$0x0] =	vst.idx.add.f32.msk $0xffff, v0  }
0x4d: {  	v1 =	vld [tilespmem:$0x41D0];
	_ =	sdelay $0x7  }
0x4e: {  	[tilespmem:v1+s15+$0x0] =	vst.idx.add.f32.msk $0xffff, v0  }
0x4f: {  	v1 =	vld [tilespmem:$0x41E0];
	_ =	sdelay $0x7  }
0x50: {  	[tilespmem:v1+s15+$0x0] =	vst.idx.add.f32.msk $0xffff, v0  }
0x51: {  	v1 =	vld [tilespmem:$0x41F0];
	_ =	sdelay $0x7  }
0x52: {  	[tilespmem:v1+s15+$0x0] =	vst.idx.add.f32.msk $0xffff, v0  }
0x53: {  	p1 =	sne.s32 s29, $0x13000;
	_ =	swait.ge [sflag:s25], $0x4000  }
.Ltmp0:
0x54: {  	[sflag:s25] =	ssyncset.done $0x0;
	(pc) =	sbr.rel @p1 .LBB2_2-.Ltmp0, $4  }
0x55: {  	[sflag:s25] =	ssyncadd.s32 $0xFFFFC000  }
0x56: {  	_ =	swait.ge [sflag:s26], $0x4000  }
0x57: {  	[sflag:s26] =	ssyncset.done $0x0  }
0x58: {  	s29 =	sadd.s32 $0x800, s29;
	[sflag:s26] =	ssyncadd.s32 $0xFFFFC000  }
0x59: {  	s29 =	simm.s32 @!p0 $0x0;
	s30 =	simm.s32 @!p0 $0x1  }
0x5a: {  	[tilespmem:s29], [sflag:$0x1] =	stream.linear.gather @!p0 [hbm4b:s8+s29], $0x100, $0x38;
	[tilespmem:$0x1E200] =	vst v63  }
0x5b: {  	_ =	swait.ge @!p0 [sflag:s30], $0x100  }
0x5c: {  	[sflag:s30] =	ssyncset.done @!p0 $0x0  }
0x5d: {  	s31 =	simm.s32 @!p0 $0x100;
	[sflag:s30] =	ssyncadd.s32 @!p0 $0xFFFFFF00;
	s30 =	simm.s32 @!p0 $0x80  }
0x5e: {  	[tilespmem:s31], [sflag:$0x3] =	stream.indirect.gather @!p0 [hbm4b:s1+s30], $0x80, s29, s30, $0xb8;
	[tilespmem:$0x1E200] =	vst v63  }
0x5f: {  	s29 =	simm.s32 @!p0 $0x3  }
0x60: {  	_ =	swait.ge @!p0 [sflag:s29], $0x4000  }
0x61: {  	[sflag:s29] =	ssyncset.done @!p0 $0x0  }
0x62: {  	[sflag:s29] =	ssyncadd.s32 @!p0 $0xFFFFC000  }
0x63: {  	[spmem:s2] =	stream.indirect.scatter.add.f32 @!p0 [tilespmem:s31], [sflag:$0x5], $0x80, s30, s30, $0xb8;
	[tilespmem:$0x1E200] =	vst v63  }
0x64: {  	v1 =	vld @!p0 [tilespmem:$0x80];
	_ =	sdelay $0x6  }
0x65: {  	v2 =	vimm.f32 @!p0 $1.000000000e+00;
	s29 =	simm.s32 @!p0 $0x8200  }
0x66: {  	[tilespmem:v1+s29+$0x0] =	vst.idx.add.f32.msk @!p0 $0xffff, v2  }
0x67: {  	v1 =	vld @!p0 [tilespmem:$0x90];
	_ =	sdelay $0x7  }
0x68: {  	[tilespmem:v1+s29+$0x0] =	vst.idx.add.f32.msk @!p0 $0xffff, v2  }
0x69: {  	v1 =	vld @!p0 [tilespmem:$0xA0];
	_ =	sdelay $0x7  }
0x6a: {  	[tilespmem:v1+s29+$0x0] =	vst.idx.add.f32.msk @!p0 $0xffff, v2  }
0x6b: {  	v1 =	vld @!p0 [tilespmem:$0xB0];
	_ =	sdelay $0x7  }
0x6c: {  	[tilespmem:v1+s29+$0x0] =	vst.idx.add.f32.msk @!p0 $0xffff, v2  }
0x6d: {  	v1 =	vld @!p0 [tilespmem:$0xC0];
	_ =	sdelay $0x7  }
0x6e: {  	[tilespmem:v1+s29+$0x0] =	vst.idx.add.f32.msk @!p0 $0xffff, v2  }
0x6f: {  	v1 =	vld @!p0 [tilespmem:$0xD0];
	_ =	sdelay $0x7  }
0x70: {  	[tilespmem:v1+s29+$0x0] =	vst.idx.add.f32.msk @!p0 $0xffff, v2  }
0x71: {  	v1 =	vld @!p0 [tilespmem:$0xE0];
	_ =	sdelay $0x7  }
0x72: {  	[tilespmem:v1+s29+$0x0] =	vst.idx.add.f32.msk @!p0 $0xffff, v2  }
0x73: {  	v1 =	vld @!p0 [tilespmem:$0xF0];
	_ =	sdelay $0x7  }
0x74: {  	[tilespmem:v1+s29+$0x0] =	vst.idx.add.f32.msk @!p0 $0xffff, v2;
	s29 =	simm.s32 @!p0 $0x5  }
0x75: {  	_ =	swait.ge @!p0 [sflag:s29], $0x4000  }
0x76: {  	[sflag:s29] =	ssyncset.done @!p0 $0x0  }
0x77: {  	[sflag:s29] =	ssyncadd.s32 @!p0 $0xFFFFC000  }
0x78: {  	[bflag:$0x0] =	sbarrier.arrive $0xFFFF  }
0x79: {  	[hbm:s9], [sflag:s7] =	dma.local [spmem:s13], $0x2800  }
0x7a: {  	s28 =	sadd.s32 $0x1, s28;
	_ =	swait.ge [sflag:s14], $0x2800  }
0x7b: {  	p1 =	sne.s32 s28, s11;
	[sflag:s14] =	ssyncset.done $0x0  }
.Ltmp1:
0x7c: {  	[sflag:s14] =	ssyncadd.s32 $0xFFFFD800;
	(pc) =	sbr.rel @p1 .LBB2_1-.Ltmp1, $4  }
0x7d: {  	[hbm4b:s10+s4] =	stream.linear.scatter [tilespmem:s15], [sflag:$0x7], $0x2710, $0x38;
	[tilespmem:$0x1E200] =	vst v63  }
0x7e: {  	_ =	swait.ge [sflag:s14], $0x2710  }
0x7f: {  	[sflag:s14] =	ssyncset.done $0x0  }
0x80: {  	[sflag:s14] =	ssyncadd.s32 $0xFFFFD8F0  }
0x81: {  	_ =	sfence.sel $0x180000  }
0x82: {  	[bflag:$0x0] =	sbarrier.arrive $0xFFFF  }
0x83: {  	p0 =	sne.s32 s3, $0x0;
	_ =	strace $0x90000047  }
0x84: {  	s0 =	sadd.s32 @!p0 $0x100000, s0;
	[bflag:$0x2] =	sbarrier.arrive $0xFFFF  }
0x85: {  	[sflag:s0] =	ssyncadd.tile.s32 @!p0 $0x1;
	_ =	shalt  }
.Lfunc_end2:
_tile_overlayer_lowered:
.L_overlay_start_2:
0x86: {  	(tag) =	ssettag $0x2  }
0x87: {  	s0 =	rddreg [dreg:$0x0];
	s2 =	stileid.u32  }
0x88: {  	s1 =	rddreg [dreg:$0x1];
	p0 =	sne.s32 s2, $0x0  }
0x89: {  	s3 =	rddreg [dreg:$0x2];
	[bflag:$0x3] =	sbarrier.arrive $0xFFFF;
	s2 =	simm.s32 @!p0 $0x1C07  }
0x8a: {  	[timem:s3], [sflag:s2] =	dma.local @!p0 [hbm:s0], s1  }
0x8b: {  	s0 =	simm.s32 @!p0 $0x7  }
0x8c: {  	_ =	swait.ge @!p0 [sflag:s0], s1  }
0x8d: {  	s1 =	ssub.s32 @!p0 $0x0, s1;
	[sflag:s0] =	ssyncset.done @!p0 $0x0  }
0x8e: {  	[sflag:s0] =	ssyncadd.s32 @!p0 s1  }
0x8f: {  	[bflag:$0x3] =	sbarrier.arrive $0xFFFF  }
0x90: {  	_ =	shalt  }

</sc_bundles>
